<compile_context>
chip_gen: v7x
topology: tpu7x:2x2x1
jax: 0.10.2.dev20260603
libtpu: 0.0.44.dev20260713+nightly
codegen_flags: <defaults>
</compile_context>

<pallas_src>
import functools

import jax
import jax.numpy as jnp
from jax.experimental import pallas as pl

_EPS = 1e-5
_B, _N = 4, 4096


def _fold(layer):
    s = layer['gamma'] / jnp.sqrt(1.0 + _EPS)
    return layer['W'] * s[None, :], (layer['b'] * s + layer['beta'])[None, :]


def _mlp_max_kern(x_ref, w1, b1, w2, b2, w3, b3, o_ref, *, gpb, K, cout):
    h = x_ref[...]
    for w, b in ((w1, b1), (w2, b2), (w3, b3)):
        h = jnp.maximum(
            jnp.dot(h, w[...], preferred_element_type=jnp.float32) + b[...], 0.0)
    o_ref[...] = jnp.max(h.reshape(gpb, K, cout), axis=1)


def _mlp_max(x, layers, K, gpb):
    g_total = x.shape[0] // K
    cin = x.shape[1]
    ws_bs = []
    for L in layers:
        w, b = _fold(L)
        ws_bs += [w, b]
    cout = ws_bs[-2].shape[1]
    kern = functools.partial(_mlp_max_kern, gpb=gpb, K=K, cout=cout)
    wspecs = [pl.BlockSpec(a.shape, lambda i: (0, 0)) for a in ws_bs]
    return pl.pallas_call(
        kern,
        grid=(g_total // gpb,),
        in_specs=[pl.BlockSpec((gpb * K, cin), lambda i: (i, 0))] + wspecs,
        out_specs=pl.BlockSpec((gpb, cout), lambda i: (i, 0)),
        out_shape=jax.ShapeDtypeStruct((g_total, cout), jnp.float32),
    )(x, *ws_bs)


def _head_kern(x_ref, w1, b1, w2, b2, w3, b3, o_ref):
    h = x_ref[...]
    h = jnp.maximum(jnp.dot(h, w1[...], preferred_element_type=jnp.float32) + b1[...], 0.0)
    h = jnp.maximum(jnp.dot(h, w2[...], preferred_element_type=jnp.float32) + b2[...], 0.0)
    o_ref[...] = jnp.dot(h, w3[...], preferred_element_type=jnp.float32) + b3[...]


def _head(x, fc1, fc2, fc3):
    w1, b1 = _fold(fc1)
    w2, b2 = _fold(fc2)
    w3, b3 = fc3['W'], fc3['b'][None, :]
    nout = w3.shape[1]
    return pl.pallas_call(
        _head_kern,
        out_shape=jax.ShapeDtypeStruct((x.shape[0], nout), jnp.float32),
    )(x, w1, b1, w2, b2, w3, b3)


def _index_points(points, idx):
    return jax.vmap(lambda p, i: p[i])(points, idx)


def _fps_kern(xt_ref, o_ref, *, npoint, n):
    x = xt_ref[0]
    lane = jax.lax.broadcasted_iota(jnp.int32, (1, n), 1)
    olane = jax.lax.broadcasted_iota(jnp.int32, (1, npoint), 1)

    def body(i, state):
        distance, farthest, cents = state
        cents = jnp.where(olane == i, farthest, cents)
        sel = (lane == farthest).astype(jnp.float32)
        c = jnp.sum(x * sel, axis=1, keepdims=True)
        dist = jnp.sum((x - c) ** 2, axis=0, keepdims=True)
        distance = jnp.minimum(distance, dist)
        m = jnp.max(distance)
        nf = jnp.min(jnp.where(distance == m, lane, n))
        return distance, nf, cents

    init = (jnp.full((1, n), 1e10, jnp.float32), jnp.int32(0),
            jnp.zeros((1, npoint), jnp.int32))
    _, _, cents = jax.lax.fori_loop(0, npoint, body, init)
    o_ref[...] = cents[None]


def _fps(xyz, npoint):
    b, n, _ = xyz.shape
    xt = jnp.transpose(xyz, (0, 2, 1))
    out = pl.pallas_call(
        functools.partial(_fps_kern, npoint=npoint, n=n),
        grid=(b,),
        in_specs=[pl.BlockSpec((1, 3, n), lambda i: (i, 0, 0))],
        out_specs=pl.BlockSpec((1, 1, npoint), lambda i: (i, 0, 0)),
        out_shape=jax.ShapeDtypeStruct((b, 1, npoint), jnp.int32),
    )(xt)
    return out[:, 0]


def _ball_kern(sq_ref, o_ref, *, r2, K, n, sc):
    sq = sq_ref[0]
    mask = sq <= r2
    rank = mask.astype(jnp.int32)
    shift = 1
    while shift < n:
        rank = rank + jnp.pad(rank, ((0, 0), (shift, 0)))[:, :n]
        shift *= 2
    lane = jax.lax.broadcasted_iota(jnp.int32, (sc, n), 1)
    kiota = jax.lax.broadcasted_iota(jnp.int32, (sc, K), 1)
    mrank = jnp.where(mask, rank, 0)

    def body(k, out):
        sel = mrank == k + 1
        idx_k = jnp.sum(jnp.where(sel, lane, 0), axis=1, keepdims=True)
        return jnp.where(kiota == k, idx_k, out)

    out = jax.lax.fori_loop(0, K, body, jnp.zeros((sc, K), jnp.int32))
    count = rank[:, n - 1:n]
    out = jnp.where(kiota < count, out, out[:, 0:1])
    o_ref[...] = jnp.where(count == 0, n, out)[None]


def _query_ball(radius, nsample, sq):
    b, s, n = sq.shape
    sc = min(s, 128)
    return pl.pallas_call(
        functools.partial(_ball_kern, r2=radius ** 2, K=nsample, n=n, sc=sc),
        grid=(b, s // sc),
        in_specs=[pl.BlockSpec((1, sc, n), lambda i, j: (i, j, 0))],
        out_specs=pl.BlockSpec((1, sc, nsample), lambda i, j: (i, j, 0)),
        out_shape=jax.ShapeDtypeStruct((b, s, nsample), jnp.int32),
    )(sq)


def _sa_msg(xyz, points, npoint, radius_list, nsample_list, branches, gpb):
    b, n, _ = xyz.shape
    fps_idx = _fps(xyz, npoint)
    new_xyz = _index_points(xyz, fps_idx)
    sq = (jnp.sum(new_xyz ** 2, -1)[:, :, None] + jnp.sum(xyz ** 2, -1)[:, None, :]
          - 2.0 * jnp.einsum('bsd,bnd->bsn', new_xyz, xyz))
    outs = []
    for radius, K, layers in zip(radius_list, nsample_list, branches):
        idx = _query_ball(radius, K, sq)
        grouped_xyz = _index_points(xyz, idx) - new_xyz[:, :, None, :]
        if points is None:
            grouped = grouped_xyz
        else:
            grouped = jnp.concatenate([_index_points(points, idx), grouped_xyz], -1)
        cin = grouped.shape[-1]
        flat = grouped.reshape(b * npoint * K, cin)
        out = _mlp_max(flat, layers, K, gpb)
        outs.append(out.reshape(b, npoint, -1))
    return new_xyz, jnp.concatenate(outs, -1)


@jax.jit
def _forward(pointcloud, params):
    xyz = jnp.transpose(pointcloud, (0, 2, 1))
    l1_xyz, l1_points = _sa_msg(xyz, None, 512, [0.1, 0.2, 0.4], [16, 32, 128],
                                params['sa1'], gpb=16)
    l2_xyz, l2_points = _sa_msg(l1_xyz, l1_points, 128, [0.2, 0.4, 0.8],
                                [32, 64, 128], params['sa2'], gpb=16)
    grouped = jnp.concatenate([l2_xyz, l2_points], -1)
    l3 = _mlp_max(grouped.reshape(_B * 128, 643), params['sa3'], 128, 4)
    logits = _head(l3, params['fc1'], params['fc2'], params['fc3'])
    return logits, l3


def kernel(pointcloud, params):
    return _forward(pointcloud, params)

# --- scband reference (transcript-rebuilt; emitter-appended) ---
"""Pipeline reference for scband-point-net2-cls-msg-61967788147273 (READ-ONLY COPY).

The authoritative reference and input builder live on the scoring server;
editing this copy changes nothing except your own understanding.
"""

import jax, jax.numpy as jnp
import numpy as np

EPS = 1e-5
B, N, NUM_OUTPUTS = 4, 4096, 40

def square_distance(src, dst):
    return jnp.sum(src ** 2, -1)[:, :, None] + jnp.sum(dst ** 2, -1)[:, None, :] - 2.0 * jnp.einsum('bsd,bnd->bsn', src, dst)

def index_points(points, idx):
    return jax.vmap(lambda p, i: p[i])(points, idx)

def farthest_point_sample(xyz, npoint):
    Bb, Nn, _ = xyz.shape
    def body(i, state):
        centroids, distance, farthest = state
        centroids = centroids.at[:, i].set(farthest)
        centroid = jnp.take_along_axis(xyz, farthest[:, None, None], axis=1)
        dist = jnp.sum((xyz - centroid) ** 2, -1)
        distance = jnp.minimum(distance, dist)
        farthest = jnp.argmax(distance, -1).astype(jnp.int32)
        return centroids, distance, farthest
    init = (jnp.zeros((Bb, npoint), jnp.int32), jnp.full((Bb, Nn), 1e10, jnp.float32), jnp.zeros((Bb,), jnp.int32))
    centroids, _, _ = jax.lax.fori_loop(0, npoint, body, init)
    return centroids

def query_ball_point(radius, nsample, xyz, new_xyz):
    Bb, Nn, _ = xyz.shape
    Ss = new_xyz.shape[1]
    sqrdists = square_distance(new_xyz, xyz)
    grp = jnp.broadcast_to(jnp.arange(Nn, dtype=jnp.int32)[None, None, :], (Bb, Ss, Nn))
    grp = jnp.where(sqrdists > radius ** 2, Nn, grp)
    grp = jnp.sort(grp, axis=-1)[:, :, :nsample]
    first = jnp.broadcast_to(grp[:, :, :1], grp.shape)
    return jnp.where(grp == Nn, first, grp)

def mlp_block(x, layers):
    # x: [B, S, K, C]; 1x1 Conv2d + BatchNorm(eval: running mean 0, var 1) + ReLU
    for L in layers:
        x = x @ L['W'] + L['b']
        x = L['gamma'] * x / jnp.sqrt(1.0 + EPS) + L['beta']
        x = jax.nn.relu(x)
    return x

def sa_msg(xyz, points, npoint, radius_list, nsample_list, branches):
    fps_idx = farthest_point_sample(xyz, npoint)
    new_xyz = index_points(xyz, fps_idx)
    outs = []
    for radius, K, layers in zip(radius_list, nsample_list, branches):
        idx = query_ball_point(radius, K, xyz, new_xyz)
        grouped_xyz = index_points(xyz, idx) - new_xyz[:, :, None, :]
        grouped = grouped_xyz if points is None else jnp.concatenate([index_points(points, idx), grouped_xyz], -1)
        outs.append(jnp.max(mlp_block(grouped, layers), axis=2))
    return new_xyz, jnp.concatenate(outs, -1)

def sa_group_all(xyz, points, layers):
    grouped = jnp.concatenate([xyz, points], -1)[:, None]
    return jnp.max(mlp_block(grouped, layers), axis=2)[:, 0]

def fc_bn_relu(x, L):
    x = x @ L['W'] + L['b']
    return jax.nn.relu(L['gamma'] * x / jnp.sqrt(1.0 + EPS) + L['beta'])

def _conv_layers(key, in_c, mlp):
    layers = []
    c = in_c
    for i, out_c in enumerate(mlp):
        k = jax.random.fold_in(key, i)
        layers.append({'W': jax.random.normal(k, (c, out_c), jnp.float32) / np.sqrt(c),
                       'b': jnp.zeros((out_c,), jnp.float32),
                       'gamma': jnp.ones((out_c,), jnp.float32),
                       'beta': jnp.zeros((out_c,), jnp.float32)})
        c = out_c
    return layers

def _fc(key, in_c, out_c, bn=True):
    d = {'W': jax.random.normal(key, (in_c, out_c), jnp.float32) / np.sqrt(in_c),
         'b': jnp.zeros((out_c,), jnp.float32)}
    if bn:
        d['gamma'] = jnp.ones((out_c,), jnp.float32)
        d['beta'] = jnp.zeros((out_c,), jnp.float32)
    return d

def make_params(key):
    return {
        'sa1': [_conv_layers(jax.random.fold_in(key, 10 + j), 3, m) for j, m in enumerate([[32, 32, 64], [64, 64, 128], [64, 96, 128]])],
        'sa2': [_conv_layers(jax.random.fold_in(key, 20 + j), 323, m) for j, m in enumerate([[64, 64, 128], [128, 128, 256], [128, 128, 256]])],
        'sa3': _conv_layers(jax.random.fold_in(key, 30), 643, [256, 512, 1024]),
        'fc1': _fc(jax.random.fold_in(key, 40), 1024, 512),
        'fc2': _fc(jax.random.fold_in(key, 41), 512, 256),
        'fc3': _fc(jax.random.fold_in(key, 42), 256, NUM_OUTPUTS, bn=False),
    }

def setup_inputs(seed: int = 0):
    key = jax.random.key(seed)
    pointcloud = jax.random.normal(jax.random.fold_in(key, 1), (B, 3, N), jnp.float32)
    return {'pointcloud': pointcloud, 'params': make_params(jax.random.fold_in(key, 2))}

def reference(pointcloud, params):
    xyz = jnp.transpose(pointcloud, (0, 2, 1))
    l1_xyz, l1_points = sa_msg(xyz, None, 512, [0.1, 0.2, 0.4], [16, 32, 128], params['sa1'])
    l2_xyz, l2_points = sa_msg(l1_xyz, l1_points, 128, [0.2, 0.4, 0.8], [32, 64, 128], params['sa2'])
    l3_points = sa_group_all(l2_xyz, l2_points, params['sa3'])
    x = fc_bn_relu(l3_points, params['fc1'])
    x = fc_bn_relu(x, params['fc2'])
    logits = x @ params['fc3']['W'] + params['fc3']['b']
    return logits, l3_points

if __name__ == "__main__":
    import jax
    _d = setup_inputs()
    print(jax.jit(kernel)(*tuple(_d.values())))

</pallas_src>

<mosaic_0001>
module attributes {stable_mosaic.version = 14 : i64} {
  func.func @_fps_kern(%arg0: i32, %arg1: memref<1x3x4096xf32, #tpu.memory_space<vmem>>, %arg2: memref<1x1x512xi32, #tpu.memory_space<vmem>>) attributes {dimension_semantics = [#tpu.dimension_semantics<arbitrary>], iteration_bounds = array<i64: 4>, scalar_prefetch = 0 : i64, scratch_operands = 0 : i64, tpu.core_type = #tpu.core_type<tc>, window_params = [{transform_indices = @transform_0, window_bounds = array<i64: 1, 3, 4096>}, {transform_indices = @transform_1, window_bounds = array<i64: 1, 1, 512>}]} {
    %get3A = arith.constant 0 : index
    %get3A_0 = arith.constant 0 : index
    %get3A_1 = arith.constant 0 : index
    %get3A_2 = vector.load %arg1[%get3A, %get3A_0, %get3A_1] : memref<1x3x4096xf32, #tpu.memory_space<vmem>>, vector<1x3x4096xf32>
    %get3A_3 = vector.shape_cast %get3A_2 : vector<1x3x4096xf32> to vector<3x4096xf32>
    %iota3A = tpu.iota {dimensions = array<i32: 1>} : vector<1x4096xi32>
    %iota3A_4 = tpu.iota {dimensions = array<i32: 1>} : vector<1x512xi32>
    %broadcast_in_dim3A = arith.constant 1.000000e+10 : f32
    %broadcast_in_dim3A_5 = vector.broadcast %broadcast_in_dim3A : f32 to vector<1x4096xf32>
    %broadcast_in_dim3A_6 = arith.constant 0 : i32
    %broadcast_in_dim3A_7 = vector.broadcast %broadcast_in_dim3A_6 : i32 to vector<1x512xi32>
    %scan3A = arith.constant 0 : i32
    %scan3A_8 = arith.constant 0 : i32
    %scan3A_9 = arith.constant 512 : i32
    %scan3A_10 = arith.addi %scan3A_8, %scan3A_9 : i32
    %scan3A_11 = arith.constant 1 : i32
    %scan3A_12:3 = scf.for %scan3A_18 = %scan3A_8 to %scan3A_10 step %scan3A_11 iter_args(%scan3A_19 = %broadcast_in_dim3A_5, %scan3A_20 = %scan3A, %scan3A_21 = %broadcast_in_dim3A_7) -> (vector<1x4096xf32>, i32, vector<1x512xi32>)  : i32 {
      %eq3A = vector.broadcast %scan3A_18 : i32 to vector<1x512xi32>
      %eq3A_22 = arith.cmpi eq, %iota3A_4, %eq3A : vector<1x512xi32>
      %broadcast_in_dim3A_23 = vector.broadcast %scan3A_20 : i32 to vector<1x512xi32>
      %select_n3A = arith.select %eq3A_22, %broadcast_in_dim3A_23, %scan3A_21 : vector<1x512xi1>, vector<1x512xi32>
      %eq3A_24 = vector.broadcast %scan3A_20 : i32 to vector<1x4096xi32>
      %eq3A_25 = arith.cmpi eq, %iota3A, %eq3A_24 : vector<1x4096xi32>
      %convert_element_type3A = arith.extui %eq3A_25 : vector<1x4096xi1> to vector<1x4096xi32>
      %convert_element_type3A_26 = arith.sitofp %convert_element_type3A : vector<1x4096xi32> to vector<1x4096xf32>
      %mul3A = vector.broadcast %convert_element_type3A_26 : vector<1x4096xf32> to vector<3x4096xf32>
      %mul3A_27 = arith.mulf %get3A_3, %mul3A : vector<3x4096xf32>
      %reduce_sum3A = arith.constant dense<0.000000e+00> : vector<3xf32>
      %reduce_sum3A_28 = vector.multi_reduction <add>, %mul3A_27, %reduce_sum3A [1] : vector<3x4096xf32> to vector<3xf32>
      %broadcast_in_dim3A_29 = vector.shape_cast %reduce_sum3A_28 : vector<3xf32> to vector<3x1xf32>
      %sub3A = vector.broadcast %broadcast_in_dim3A_29 : vector<3x1xf32> to vector<3x4096xf32>
      %sub3A_30 = arith.subf %get3A_3, %sub3A : vector<3x4096xf32>
      %integer_pow3A = arith.mulf %sub3A_30, %sub3A_30 : vector<3x4096xf32>
      %reduce_sum3A_31 = arith.constant dense<0.000000e+00> : vector<4096xf32>
      %reduce_sum3A_32 = vector.multi_reduction <add>, %integer_pow3A, %reduce_sum3A_31 [0] : vector<3x4096xf32> to vector<4096xf32>
      %broadcast_in_dim3A_33 = vector.shape_cast %reduce_sum3A_32 : vector<4096xf32> to vector<1x4096xf32>
      %min3A = arith.minimumf %scan3A_19, %broadcast_in_dim3A_33 : vector<1x4096xf32>
      %reduce_max3A = vector.shape_cast %min3A : vector<1x4096xf32> to vector<1x1x4096xf32>
      %reduce_max3A_34 = arith.constant dense<0xFF800000> : vector<1xf32>
      %reduce_max3A_35 = vector.multi_reduction <maximumf>, %reduce_max3A, %reduce_max3A_34 [1, 2] : vector<1x1x4096xf32> to vector<1xf32>
      %reduce_max3A_36 = vector.shape_cast %reduce_max3A_35 : vector<1xf32> to vector<1x1x1xf32>
      %reduce_max3A_37 = vector.extract %reduce_max3A_36[0, 0, 0] : f32 from vector<1x1x1xf32>
      %eq3A_38 = vector.broadcast %reduce_max3A_37 : f32 to vector<1x4096xf32>
      %eq3A_39 = arith.cmpf oeq, %min3A, %eq3A_38 : vector<1x4096xf32>
      %jit3A = arith.constant 4096 : i32
      %broadcast_in_dim3A_40 = vector.broadcast %jit3A : i32 to vector<1x4096xi32>
      %select_n3A_41 = arith.select %eq3A_39, %iota3A, %broadcast_in_dim3A_40 : vector<1x4096xi1>, vector<1x4096xi32>
      %reduce_min3A = vector.shape_cast %select_n3A_41 : vector<1x4096xi32> to vector<1x1x4096xi32>
      %reduce_min3A_42 = arith.constant dense<2147483647> : vector<1xi32>
      %reduce_min3A_43 = vector.multi_reduction <minsi>, %reduce_min3A, %reduce_min3A_42 [1, 2] : vector<1x1x4096xi32> to vector<1xi32>
      %reduce_min3A_44 = vector.shape_cast %reduce_min3A_43 : vector<1xi32> to vector<1x1x1xi32>
      %reduce_min3A_45 = vector.extract %reduce_min3A_44[0, 0, 0] : i32 from vector<1x1x1xi32>
      scf.yield %min3A, %reduce_min3A_45, %select_n3A : vector<1x4096xf32>, i32, vector<1x512xi32>
    }
    %scan3A_13 = arith.constant 512 : i32
    %broadcast_in_dim3A_14 = vector.shape_cast %scan3A_12#2 : vector<1x512xi32> to vector<1x1x512xi32>
    %swap3A = arith.constant 0 : index
    %swap3A_15 = arith.constant 0 : index
    %swap3A_16 = arith.constant 0 : index
    %swap3A_17 = vector.load %arg2[%swap3A, %swap3A_15, %swap3A_16] : memref<1x1x512xi32, #tpu.memory_space<vmem>>, vector<1x1x512xi32>
    tpu.vector_store %arg2[%swap3A, %swap3A_15, %swap3A_16], %broadcast_in_dim3A_14 {strides = array<i32>} : memref<1x1x512xi32, #tpu.memory_space<vmem>>, vector<1x1x512xi32>,
    return
  }
  func.func @transform_0(%arg0: i32) -> (i32, i32, i32) {
    %c0_i32 = arith.constant 0 : i32
    %c0_i32_0 = arith.constant 0 : i32
    %c0_i32_1 = arith.constant 0 : i32
    return %arg0, %c0_i32, %c0_i32_0 : i32, i32, i32
  }
  func.func @transform_1(%arg0: i32) -> (i32, i32, i32) {
    %c0_i32 = arith.constant 0 : i32
    %c0_i32_0 = arith.constant 0 : i32
    %c0_i32_1 = arith.constant 0 : i32
    return %arg0, %c0_i32, %c0_i32_0 : i32, i32, i32
  }
}

module attributes {stable_mosaic.version = 14 : i64} {
  func.func @_ball_kern(%arg0: i32, %arg1: i32, %arg2: memref<1x128x4096xf32, #tpu.memory_space<vmem>>, %arg3: memref<1x128x32xi32, #tpu.memory_space<vmem>>) attributes {dimension_semantics = [#tpu.dimension_semantics<arbitrary>, #tpu.dimension_semantics<arbitrary>], iteration_bounds = array<i64: 4, 4>, scalar_prefetch = 0 : i64, scratch_operands = 0 : i64, tpu.core_type = #tpu.core_type<tc>, window_params = [{transform_indices = @transform_0, window_bounds = array<i64: 1, 128, 4096>}, {transform_indices = @transform_1, window_bounds = array<i64: 1, 128, 32>}]} {
    %get3A = arith.constant 0 : index
    %get3A_0 = arith.constant 0 : index
    %get3A_1 = arith.constant 0 : index
    %get3A_2 = vector.load %arg2[%get3A, %get3A_0, %get3A_1] : memref<1x128x4096xf32, #tpu.memory_space<vmem>>, vector<1x128x4096xf32>
    %get3A_3 = vector.shape_cast %get3A_2 : vector<1x128x4096xf32> to vector<128x4096xf32>
    %le3A = arith.constant 4.000000e-02 : f32
    %le3A_4 = vector.broadcast %le3A : f32 to vector<128x4096xf32>
    %le3A_5 = arith.cmpf ole, %get3A_3, %le3A_4 : vector<128x4096xf32>
    %convert_element_type3A = arith.extui %le3A_5 : vector<128x4096xi1> to vector<128x4096xi32>
    %jit3A = arith.constant 0 : i32
    %pad3A = vector.broadcast %jit3A : i32 to vector<128x1xi32>
    %pad3A_6 = tpu.concatenate %pad3A, %convert_element_type3A in 1 : vector<128x1xi32>, vector<128x4096xi32> -> vector<128x4097xi32>
    %slice3A = vector.extract_strided_slice %pad3A_6 {offsets = [0, 0], sizes = [128, 4096], strides = [1, 1]} : vector<128x4097xi32> to vector<128x4096xi32>
    %add3A = arith.addi %convert_element_type3A, %slice3A : vector<128x4096xi32>
    %jit3A_7 = arith.constant 0 : i32
    %pad3A_8 = vector.broadcast %jit3A_7 : i32 to vector<128x2xi32>
    %pad3A_9 = tpu.concatenate %pad3A_8, %add3A in 1 : vector<128x2xi32>, vector<128x4096xi32> -> vector<128x4098xi32>
    %slice3A_10 = vector.extract_strided_slice %pad3A_9 {offsets = [0, 0], sizes = [128, 4096], strides = [1, 1]} : vector<128x4098xi32> to vector<128x4096xi32>
    %add3A_11 = arith.addi %add3A, %slice3A_10 : vector<128x4096xi32>
    %jit3A_12 = arith.constant 0 : i32
    %pad3A_13 = vector.broadcast %jit3A_12 : i32 to vector<128x4xi32>
    %pad3A_14 = tpu.concatenate %pad3A_13, %add3A_11 in 1 : vector<128x4xi32>, vector<128x4096xi32> -> vector<128x4100xi32>
    %slice3A_15 = vector.extract_strided_slice %pad3A_14 {offsets = [0, 0], sizes = [128, 4096], strides = [1, 1]} : vector<128x4100xi32> to vector<128x4096xi32>
    %add3A_16 = arith.addi %add3A_11, %slice3A_15 : vector<128x4096xi32>
    %jit3A_17 = arith.constant 0 : i32
    %pad3A_18 = vector.broadcast %jit3A_17 : i32 to vector<128x8xi32>
    %pad3A_19 = tpu.concatenate %pad3A_18, %add3A_16 in 1 : vector<128x8xi32>, vector<128x4096xi32> -> vector<128x4104xi32>
    %slice3A_20 = vector.extract_strided_slice %pad3A_19 {offsets = [0, 0], sizes = [128, 4096], strides = [1, 1]} : vector<128x4104xi32> to vector<128x4096xi32>
    %add3A_21 = arith.addi %add3A_16, %slice3A_20 : vector<128x4096xi32>
    %jit3A_22 = arith.constant 0 : i32
    %pad3A_23 = vector.broadcast %jit3A_22 : i32 to vector<128x16xi32>
    %pad3A_24 = tpu.concatenate %pad3A_23, %add3A_21 in 1 : vector<128x16xi32>, vector<128x4096xi32> -> vector<128x4112xi32>
    %slice3A_25 = vector.extract_strided_slice %pad3A_24 {offsets = [0, 0], sizes = [128, 4096], strides = [1, 1]} : vector<128x4112xi32> to vector<128x4096xi32>
    %add3A_26 = arith.addi %add3A_21, %slice3A_25 : vector<128x4096xi32>
    %jit3A_27 = arith.constant 0 : i32
    %pad3A_28 = vector.broadcast %jit3A_27 : i32 to vector<128x32xi32>
    %pad3A_29 = tpu.concatenate %pad3A_28, %add3A_26 in 1 : vector<128x32xi32>, vector<128x4096xi32> -> vector<128x4128xi32>
    %slice3A_30 = vector.extract_strided_slice %pad3A_29 {offsets = [0, 0], sizes = [128, 4096], strides = [1, 1]} : vector<128x4128xi32> to vector<128x4096xi32>
    %add3A_31 = arith.addi %add3A_26, %slice3A_30 : vector<128x4096xi32>
    %jit3A_32 = arith.constant 0 : i32
    %pad3A_33 = vector.broadcast %jit3A_32 : i32 to vector<128x64xi32>
    %pad3A_34 = tpu.concatenate %pad3A_33, %add3A_31 in 1 : vector<128x64xi32>, vector<128x4096xi32> -> vector<128x4160xi32>
    %slice3A_35 = vector.extract_strided_slice %pad3A_34 {offsets = [0, 0], sizes = [128, 4096], strides = [1, 1]} : vector<128x4160xi32> to vector<128x4096xi32>
    %add3A_36 = arith.addi %add3A_31, %slice3A_35 : vector<128x4096xi32>
    %jit3A_37 = arith.constant 0 : i32
    %pad3A_38 = vector.broadcast %jit3A_37 : i32 to vector<128x128xi32>
    %pad3A_39 = tpu.concatenate %pad3A_38, %add3A_36 in 1 : vector<128x128xi32>, vector<128x4096xi32> -> vector<128x4224xi32>
    %slice3A_40 = vector.extract_strided_slice %pad3A_39 {offsets = [0, 0], sizes = [128, 4096], strides = [1, 1]} : vector<128x4224xi32> to vector<128x4096xi32>
    %add3A_41 = arith.addi %add3A_36, %slice3A_40 : vector<128x4096xi32>
    %jit3A_42 = arith.constant 0 : i32
    %pad3A_43 = vector.broadcast %jit3A_42 : i32 to vector<128x256xi32>
    %pad3A_44 = tpu.concatenate %pad3A_43, %add3A_41 in 1 : vector<128x256xi32>, vector<128x4096xi32> -> vector<128x4352xi32>
    %slice3A_45 = vector.extract_strided_slice %pad3A_44 {offsets = [0, 0], sizes = [128, 4096], strides = [1, 1]} : vector<128x4352xi32> to vector<128x4096xi32>
    %add3A_46 = arith.addi %add3A_41, %slice3A_45 : vector<128x4096xi32>
    %jit3A_47 = arith.constant 0 : i32
    %pad3A_48 = vector.broadcast %jit3A_47 : i32 to vector<128x512xi32>
    %pad3A_49 = tpu.concatenate %pad3A_48, %add3A_46 in 1 : vector<128x512xi32>, vector<128x4096xi32> -> vector<128x4608xi32>
    %slice3A_50 = vector.extract_strided_slice %pad3A_49 {offsets = [0, 0], sizes = [128, 4096], strides = [1, 1]} : vector<128x4608xi32> to vector<128x4096xi32>
    %add3A_51 = arith.addi %add3A_46, %slice3A_50 : vector<128x4096xi32>
    %jit3A_52 = arith.constant 0 : i32
    %pad3A_53 = vector.broadcast %jit3A_52 : i32 to vector<128x1024xi32>
    %pad3A_54 = tpu.concatenate %pad3A_53, %add3A_51 in 1 : vector<128x1024xi32>, vector<128x4096xi32> -> vector<128x5120xi32>
    %slice3A_55 = vector.extract_strided_slice %pad3A_54 {offsets = [0, 0], sizes = [128, 4096], strides = [1, 1]} : vector<128x5120xi32> to vector<128x4096xi32>
    %add3A_56 = arith.addi %add3A_51, %slice3A_55 : vector<128x4096xi32>
    %jit3A_57 = arith.constant 0 : i32
    %pad3A_58 = vector.broadcast %jit3A_57 : i32 to vector<128x2048xi32>
    %pad3A_59 = tpu.concatenate %pad3A_58, %add3A_56 in 1 : vector<128x2048xi32>, vector<128x4096xi32> -> vector<128x6144xi32>
    %slice3A_60 = vector.extract_strided_slice %pad3A_59 {offsets = [0, 0], sizes = [128, 4096], strides = [1, 1]} : vector<128x6144xi32> to vector<128x4096xi32>
    %add3A_61 = arith.addi %add3A_56, %slice3A_60 : vector<128x4096xi32>
    %iota3A = tpu.iota {dimensions = array<i32: 1>} : vector<128x4096xi32>
    %iota3A_62 = tpu.iota {dimensions = array<i32: 1>} : vector<128x32xi32>
    %jit3A_63 = arith.constant 0 : i32
    %broadcast_in_dim3A = vector.broadcast %jit3A_63 : i32 to vector<128x4096xi32>
    %select_n3A = arith.select %le3A_5, %add3A_61, %broadcast_in_dim3A : vector<128x4096xi1>, vector<128x4096xi32>
    %broadcast_in_dim3A_64 = arith.constant 0 : i32
    %broadcast_in_dim3A_65 = vector.broadcast %broadcast_in_dim3A_64 : i32 to vector<128x32xi32>
    %scan3A = arith.constant 0 : i32
    %scan3A_66 = arith.constant 32 : i32
    %scan3A_67 = arith.addi %scan3A, %scan3A_66 : i32
    %scan3A_68 = arith.constant 1 : i32
    %scan3A_69 = scf.for %scan3A_88 = %scan3A to %scan3A_67 step %scan3A_68 iter_args(%scan3A_89 = %broadcast_in_dim3A_65) -> (vector<128x32xi32>)  : i32 {
      %add3A_90 = arith.constant 1 : i32
      %add3A_91 = arith.addi %scan3A_88, %add3A_90 : i32
      %eq3A_92 = vector.broadcast %add3A_91 : i32 to vector<128x4096xi32>
      %eq3A_93 = arith.cmpi eq, %select_n3A, %eq3A_92 : vector<128x4096xi32>
      %jit3A_94 = arith.constant 0 : i32
      %broadcast_in_dim3A_95 = vector.broadcast %jit3A_94 : i32 to vector<128x4096xi32>
      %select_n3A_96 = arith.select %eq3A_93, %iota3A, %broadcast_in_dim3A_95 : vector<128x4096xi1>, vector<128x4096xi32>
      %reduce_sum3A = arith.constant dense<0> : vector<128xi32>
      %reduce_sum3A_97 = vector.multi_reduction <add>, %select_n3A_96, %reduce_sum3A [1] : vector<128x4096xi32> to vector<128xi32>
      %broadcast_in_dim3A_98 = vector.shape_cast %reduce_sum3A_97 : vector<128xi32> to vector<128x1xi32>
      %eq3A_99 = vector.broadcast %scan3A_88 : i32 to vector<128x32xi32>
      %eq3A_100 = arith.cmpi eq, %iota3A_62, %eq3A_99 : vector<128x32xi32>
      %broadcast_in_dim3A_101 = vector.shape_cast %broadcast_in_dim3A_98 : vector<128x1xi32> to vector<128x1xi32>
      %broadcast_in_dim3A_102 = vector.broadcast %broadcast_in_dim3A_101 : vector<128x1xi32> to vector<128x32xi32>
      %select_n3A_103 = arith.select %eq3A_100, %broadcast_in_dim3A_102, %scan3A_89 : vector<128x32xi1>, vector<128x32xi32>
      scf.yield %select_n3A_103 : vector<128x32xi32>
    }
    %scan3A_70 = arith.constant 32 : i32
    %slice3A_71 = vector.extract_strided_slice %add3A_61 {offsets = [0, 4095], sizes = [128, 1], strides = [1, 1]} : vector<128x4096xi32> to vector<128x1xi32>
    %lt3A = vector.broadcast %slice3A_71 : vector<128x1xi32> to vector<128x32xi32>
    %lt3A_72 = arith.cmpi slt, %iota3A_62, %lt3A : vector<128x32xi32>
    %slice3A_73 = vector.extract_strided_slice %scan3A_69 {offsets = [0, 0], sizes = [128, 1], strides = [1, 1]} : vector<128x32xi32> to vector<128x1xi32>
    %broadcast_in_dim3A_74 = vector.shape_cast %slice3A_73 : vector<128x1xi32> to vector<128x1xi32>
    %broadcast_in_dim3A_75 = vector.broadcast %broadcast_in_dim3A_74 : vector<128x1xi32> to vector<128x32xi32>
    %select_n3A_76 = arith.select %lt3A_72, %scan3A_69, %broadcast_in_dim3A_75 : vector<128x32xi1>, vector<128x32xi32>
    %eq3A = arith.constant 0 : i32
    %eq3A_77 = vector.broadcast %eq3A : i32 to vector<128x1xi32>
    %eq3A_78 = arith.cmpi eq, %slice3A_71, %eq3A_77 : vector<128x1xi32>
    %jit3A_79 = arith.constant 4096 : i32
    %broadcast_in_dim3A_80 = vector.shape_cast %eq3A_78 : vector<128x1xi1> to vector<128x1xi1>
    %broadcast_in_dim3A_81 = vector.broadcast %broadcast_in_dim3A_80 : vector<128x1xi1> to vector<128x32xi1>
    %broadcast_in_dim3A_82 = vector.broadcast %jit3A_79 : i32 to vector<128x32xi32>
    %select_n3A_83 = arith.select %broadcast_in_dim3A_81, %broadcast_in_dim3A_82, %select_n3A_76 : vector<128x32xi1>, vector<128x32xi32>
    %broadcast_in_dim3A_84 = vector.shape_cast %select_n3A_83 : vector<128x32xi32> to vector<1x128x32xi32>
    %swap3A = arith.constant 0 : index
    %swap3A_85 = arith.constant 0 : index
    %swap3A_86 = arith.constant 0 : index
    %swap3A_87 = vector.load %arg3[%swap3A, %swap3A_85, %swap3A_86] : memref<1x128x32xi32, #tpu.memory_space<vmem>>, vector<1x128x32xi32>
    tpu.vector_store %arg3[%swap3A, %swap3A_85, %swap3A_86], %broadcast_in_dim3A_84 {strides = array<i32>} : memref<1x128x32xi32, #tpu.memory_space<vmem>>, vector<1x128x32xi32>,
    return
  }
  func.func @transform_0(%arg0: i32, %arg1: i32) -> (i32, i32, i32) {
    %c0_i32 = arith.constant 0 : i32
    %c0_i32_0 = arith.constant 0 : i32
    return %arg0, %arg1, %c0_i32 : i32, i32, i32
  }
  func.func @transform_1(%arg0: i32, %arg1: i32) -> (i32, i32, i32) {
    %c0_i32 = arith.constant 0 : i32
    %c0_i32_0 = arith.constant 0 : i32
    return %arg0, %arg1, %c0_i32 : i32, i32, i32
  }
}

module attributes {stable_mosaic.version = 14 : i64} {
  func.func @_ball_kern(%arg0: i32, %arg1: i32, %arg2: memref<1x128x4096xf32, #tpu.memory_space<vmem>>, %arg3: memref<1x128x16xi32, #tpu.memory_space<vmem>>) attributes {dimension_semantics = [#tpu.dimension_semantics<arbitrary>, #tpu.dimension_semantics<arbitrary>], iteration_bounds = array<i64: 4, 4>, scalar_prefetch = 0 : i64, scratch_operands = 0 : i64, tpu.core_type = #tpu.core_type<tc>, window_params = [{transform_indices = @transform_0, window_bounds = array<i64: 1, 128, 4096>}, {transform_indices = @transform_1, window_bounds = array<i64: 1, 128, 16>}]} {
    %get3A = arith.constant 0 : index
    %get3A_0 = arith.constant 0 : index
    %get3A_1 = arith.constant 0 : index
    %get3A_2 = vector.load %arg2[%get3A, %get3A_0, %get3A_1] : memref<1x128x4096xf32, #tpu.memory_space<vmem>>, vector<1x128x4096xf32>
    %get3A_3 = vector.shape_cast %get3A_2 : vector<1x128x4096xf32> to vector<128x4096xf32>
    %le3A = arith.constant 0.00999999977 : f32
    %le3A_4 = vector.broadcast %le3A : f32 to vector<128x4096xf32>
    %le3A_5 = arith.cmpf ole, %get3A_3, %le3A_4 : vector<128x4096xf32>
    %convert_element_type3A = arith.extui %le3A_5 : vector<128x4096xi1> to vector<128x4096xi32>
    %jit3A = arith.constant 0 : i32
    %pad3A = vector.broadcast %jit3A : i32 to vector<128x1xi32>
    %pad3A_6 = tpu.concatenate %pad3A, %convert_element_type3A in 1 : vector<128x1xi32>, vector<128x4096xi32> -> vector<128x4097xi32>
    %slice3A = vector.extract_strided_slice %pad3A_6 {offsets = [0, 0], sizes = [128, 4096], strides = [1, 1]} : vector<128x4097xi32> to vector<128x4096xi32>
    %add3A = arith.addi %convert_element_type3A, %slice3A : vector<128x4096xi32>
    %jit3A_7 = arith.constant 0 : i32
    %pad3A_8 = vector.broadcast %jit3A_7 : i32 to vector<128x2xi32>
    %pad3A_9 = tpu.concatenate %pad3A_8, %add3A in 1 : vector<128x2xi32>, vector<128x4096xi32> -> vector<128x4098xi32>
    %slice3A_10 = vector.extract_strided_slice %pad3A_9 {offsets = [0, 0], sizes = [128, 4096], strides = [1, 1]} : vector<128x4098xi32> to vector<128x4096xi32>
    %add3A_11 = arith.addi %add3A, %slice3A_10 : vector<128x4096xi32>
    %jit3A_12 = arith.constant 0 : i32
    %pad3A_13 = vector.broadcast %jit3A_12 : i32 to vector<128x4xi32>
    %pad3A_14 = tpu.concatenate %pad3A_13, %add3A_11 in 1 : vector<128x4xi32>, vector<128x4096xi32> -> vector<128x4100xi32>
    %slice3A_15 = vector.extract_strided_slice %pad3A_14 {offsets = [0, 0], sizes = [128, 4096], strides = [1, 1]} : vector<128x4100xi32> to vector<128x4096xi32>
    %add3A_16 = arith.addi %add3A_11, %slice3A_15 : vector<128x4096xi32>
    %jit3A_17 = arith.constant 0 : i32
    %pad3A_18 = vector.broadcast %jit3A_17 : i32 to vector<128x8xi32>
    %pad3A_19 = tpu.concatenate %pad3A_18, %add3A_16 in 1 : vector<128x8xi32>, vector<128x4096xi32> -> vector<128x4104xi32>
    %slice3A_20 = vector.extract_strided_slice %pad3A_19 {offsets = [0, 0], sizes = [128, 4096], strides = [1, 1]} : vector<128x4104xi32> to vector<128x4096xi32>
    %add3A_21 = arith.addi %add3A_16, %slice3A_20 : vector<128x4096xi32>
    %jit3A_22 = arith.constant 0 : i32
    %pad3A_23 = vector.broadcast %jit3A_22 : i32 to vector<128x16xi32>
    %pad3A_24 = tpu.concatenate %pad3A_23, %add3A_21 in 1 : vector<128x16xi32>, vector<128x4096xi32> -> vector<128x4112xi32>
    %slice3A_25 = vector.extract_strided_slice %pad3A_24 {offsets = [0, 0], sizes = [128, 4096], strides = [1, 1]} : vector<128x4112xi32> to vector<128x4096xi32>
    %add3A_26 = arith.addi %add3A_21, %slice3A_25 : vector<128x4096xi32>
    %jit3A_27 = arith.constant 0 : i32
    %pad3A_28 = vector.broadcast %jit3A_27 : i32 to vector<128x32xi32>
    %pad3A_29 = tpu.concatenate %pad3A_28, %add3A_26 in 1 : vector<128x32xi32>, vector<128x4096xi32> -> vector<128x4128xi32>
    %slice3A_30 = vector.extract_strided_slice %pad3A_29 {offsets = [0, 0], sizes = [128, 4096], strides = [1, 1]} : vector<128x4128xi32> to vector<128x4096xi32>
    %add3A_31 = arith.addi %add3A_26, %slice3A_30 : vector<128x4096xi32>
    %jit3A_32 = arith.constant 0 : i32
    %pad3A_33 = vector.broadcast %jit3A_32 : i32 to vector<128x64xi32>
    %pad3A_34 = tpu.concatenate %pad3A_33, %add3A_31 in 1 : vector<128x64xi32>, vector<128x4096xi32> -> vector<128x4160xi32>
    %slice3A_35 = vector.extract_strided_slice %pad3A_34 {offsets = [0, 0], sizes = [128, 4096], strides = [1, 1]} : vector<128x4160xi32> to vector<128x4096xi32>
    %add3A_36 = arith.addi %add3A_31, %slice3A_35 : vector<128x4096xi32>
    %jit3A_37 = arith.constant 0 : i32
    %pad3A_38 = vector.broadcast %jit3A_37 : i32 to vector<128x128xi32>
    %pad3A_39 = tpu.concatenate %pad3A_38, %add3A_36 in 1 : vector<128x128xi32>, vector<128x4096xi32> -> vector<128x4224xi32>
    %slice3A_40 = vector.extract_strided_slice %pad3A_39 {offsets = [0, 0], sizes = [128, 4096], strides = [1, 1]} : vector<128x4224xi32> to vector<128x4096xi32>
    %add3A_41 = arith.addi %add3A_36, %slice3A_40 : vector<128x4096xi32>
    %jit3A_42 = arith.constant 0 : i32
    %pad3A_43 = vector.broadcast %jit3A_42 : i32 to vector<128x256xi32>
    %pad3A_44 = tpu.concatenate %pad3A_43, %add3A_41 in 1 : vector<128x256xi32>, vector<128x4096xi32> -> vector<128x4352xi32>
    %slice3A_45 = vector.extract_strided_slice %pad3A_44 {offsets = [0, 0], sizes = [128, 4096], strides = [1, 1]} : vector<128x4352xi32> to vector<128x4096xi32>
    %add3A_46 = arith.addi %add3A_41, %slice3A_45 : vector<128x4096xi32>
    %jit3A_47 = arith.constant 0 : i32
    %pad3A_48 = vector.broadcast %jit3A_47 : i32 to vector<128x512xi32>
    %pad3A_49 = tpu.concatenate %pad3A_48, %add3A_46 in 1 : vector<128x512xi32>, vector<128x4096xi32> -> vector<128x4608xi32>
    %slice3A_50 = vector.extract_strided_slice %pad3A_49 {offsets = [0, 0], sizes = [128, 4096], strides = [1, 1]} : vector<128x4608xi32> to vector<128x4096xi32>
    %add3A_51 = arith.addi %add3A_46, %slice3A_50 : vector<128x4096xi32>
    %jit3A_52 = arith.constant 0 : i32
    %pad3A_53 = vector.broadcast %jit3A_52 : i32 to vector<128x1024xi32>
    %pad3A_54 = tpu.concatenate %pad3A_53, %add3A_51 in 1 : vector<128x1024xi32>, vector<128x4096xi32> -> vector<128x5120xi32>
    %slice3A_55 = vector.extract_strided_slice %pad3A_54 {offsets = [0, 0], sizes = [128, 4096], strides = [1, 1]} : vector<128x5120xi32> to vector<128x4096xi32>
    %add3A_56 = arith.addi %add3A_51, %slice3A_55 : vector<128x4096xi32>
    %jit3A_57 = arith.constant 0 : i32
    %pad3A_58 = vector.broadcast %jit3A_57 : i32 to vector<128x2048xi32>
    %pad3A_59 = tpu.concatenate %pad3A_58, %add3A_56 in 1 : vector<128x2048xi32>, vector<128x4096xi32> -> vector<128x6144xi32>
    %slice3A_60 = vector.extract_strided_slice %pad3A_59 {offsets = [0, 0], sizes = [128, 4096], strides = [1, 1]} : vector<128x6144xi32> to vector<128x4096xi32>
    %add3A_61 = arith.addi %add3A_56, %slice3A_60 : vector<128x4096xi32>
    %iota3A = tpu.iota {dimensions = array<i32: 1>} : vector<128x4096xi32>
    %iota3A_62 = tpu.iota {dimensions = array<i32: 1>} : vector<128x16xi32>
    %jit3A_63 = arith.constant 0 : i32
    %broadcast_in_dim3A = vector.broadcast %jit3A_63 : i32 to vector<128x4096xi32>
    %select_n3A = arith.select %le3A_5, %add3A_61, %broadcast_in_dim3A : vector<128x4096xi1>, vector<128x4096xi32>
    %broadcast_in_dim3A_64 = arith.constant 0 : i32
    %broadcast_in_dim3A_65 = vector.broadcast %broadcast_in_dim3A_64 : i32 to vector<128x16xi32>
    %scan3A = arith.constant 0 : i32
    %scan3A_66 = arith.constant 16 : i32
    %scan3A_67 = arith.addi %scan3A, %scan3A_66 : i32
    %scan3A_68 = arith.constant 1 : i32
    %scan3A_69 = scf.for %scan3A_88 = %scan3A to %scan3A_67 step %scan3A_68 iter_args(%scan3A_89 = %broadcast_in_dim3A_65) -> (vector<128x16xi32>)  : i32 {
      %add3A_90 = arith.constant 1 : i32
      %add3A_91 = arith.addi %scan3A_88, %add3A_90 : i32
      %eq3A_92 = vector.broadcast %add3A_91 : i32 to vector<128x4096xi32>
      %eq3A_93 = arith.cmpi eq, %select_n3A, %eq3A_92 : vector<128x4096xi32>
      %jit3A_94 = arith.constant 0 : i32
      %broadcast_in_dim3A_95 = vector.broadcast %jit3A_94 : i32 to vector<128x4096xi32>
      %select_n3A_96 = arith.select %eq3A_93, %iota3A, %broadcast_in_dim3A_95 : vector<128x4096xi1>, vector<128x4096xi32>
      %reduce_sum3A = arith.constant dense<0> : vector<128xi32>
      %reduce_sum3A_97 = vector.multi_reduction <add>, %select_n3A_96, %reduce_sum3A [1] : vector<128x4096xi32> to vector<128xi32>
      %broadcast_in_dim3A_98 = vector.shape_cast %reduce_sum3A_97 : vector<128xi32> to vector<128x1xi32>
      %eq3A_99 = vector.broadcast %scan3A_88 : i32 to vector<128x16xi32>
      %eq3A_100 = arith.cmpi eq, %iota3A_62, %eq3A_99 : vector<128x16xi32>
      %broadcast_in_dim3A_101 = vector.shape_cast %broadcast_in_dim3A_98 : vector<128x1xi32> to vector<128x1xi32>
      %broadcast_in_dim3A_102 = vector.broadcast %broadcast_in_dim3A_101 : vector<128x1xi32> to vector<128x16xi32>
      %select_n3A_103 = arith.select %eq3A_100, %broadcast_in_dim3A_102, %scan3A_89 : vector<128x16xi1>, vector<128x16xi32>
      scf.yield %select_n3A_103 : vector<128x16xi32>
    }
    %scan3A_70 = arith.constant 16 : i32
    %slice3A_71 = vector.extract_strided_slice %add3A_61 {offsets = [0, 4095], sizes = [128, 1], strides = [1, 1]} : vector<128x4096xi32> to vector<128x1xi32>
    %lt3A = vector.broadcast %slice3A_71 : vector<128x1xi32> to vector<128x16xi32>
    %lt3A_72 = arith.cmpi slt, %iota3A_62, %lt3A : vector<128x16xi32>
    %slice3A_73 = vector.extract_strided_slice %scan3A_69 {offsets = [0, 0], sizes = [128, 1], strides = [1, 1]} : vector<128x16xi32> to vector<128x1xi32>
    %broadcast_in_dim3A_74 = vector.shape_cast %slice3A_73 : vector<128x1xi32> to vector<128x1xi32>
    %broadcast_in_dim3A_75 = vector.broadcast %broadcast_in_dim3A_74 : vector<128x1xi32> to vector<128x16xi32>
    %select_n3A_76 = arith.select %lt3A_72, %scan3A_69, %broadcast_in_dim3A_75 : vector<128x16xi1>, vector<128x16xi32>
    %eq3A = arith.constant 0 : i32
    %eq3A_77 = vector.broadcast %eq3A : i32 to vector<128x1xi32>
    %eq3A_78 = arith.cmpi eq, %slice3A_71, %eq3A_77 : vector<128x1xi32>
    %jit3A_79 = arith.constant 4096 : i32
    %broadcast_in_dim3A_80 = vector.shape_cast %eq3A_78 : vector<128x1xi1> to vector<128x1xi1>
    %broadcast_in_dim3A_81 = vector.broadcast %broadcast_in_dim3A_80 : vector<128x1xi1> to vector<128x16xi1>
    %broadcast_in_dim3A_82 = vector.broadcast %jit3A_79 : i32 to vector<128x16xi32>
    %select_n3A_83 = arith.select %broadcast_in_dim3A_81, %broadcast_in_dim3A_82, %select_n3A_76 : vector<128x16xi1>, vector<128x16xi32>
    %broadcast_in_dim3A_84 = vector.shape_cast %select_n3A_83 : vector<128x16xi32> to vector<1x128x16xi32>
    %swap3A = arith.constant 0 : index
    %swap3A_85 = arith.constant 0 : index
    %swap3A_86 = arith.constant 0 : index
    %swap3A_87 = vector.load %arg3[%swap3A, %swap3A_85, %swap3A_86] : memref<1x128x16xi32, #tpu.memory_space<vmem>>, vector<1x128x16xi32>
    tpu.vector_store %arg3[%swap3A, %swap3A_85, %swap3A_86], %broadcast_in_dim3A_84 {strides = array<i32>} : memref<1x128x16xi32, #tpu.memory_space<vmem>>, vector<1x128x16xi32>,
    return
  }
  func.func @transform_0(%arg0: i32, %arg1: i32) -> (i32, i32, i32) {
    %c0_i32 = arith.constant 0 : i32
    %c0_i32_0 = arith.constant 0 : i32
    return %arg0, %arg1, %c0_i32 : i32, i32, i32
  }
  func.func @transform_1(%arg0: i32, %arg1: i32) -> (i32, i32, i32) {
    %c0_i32 = arith.constant 0 : i32
    %c0_i32_0 = arith.constant 0 : i32
    return %arg0, %arg1, %c0_i32 : i32, i32, i32
  }
}

module attributes {stable_mosaic.version = 14 : i64} {
  func.func @_ball_kern(%arg0: i32, %arg1: i32, %arg2: memref<1x128x4096xf32, #tpu.memory_space<vmem>>, %arg3: memref<1x128x128xi32, #tpu.memory_space<vmem>>) attributes {dimension_semantics = [#tpu.dimension_semantics<arbitrary>, #tpu.dimension_semantics<arbitrary>], iteration_bounds = array<i64: 4, 4>, scalar_prefetch = 0 : i64, scratch_operands = 0 : i64, tpu.core_type = #tpu.core_type<tc>, window_params = [{transform_indices = @transform_0, window_bounds = array<i64: 1, 128, 4096>}, {transform_indices = @transform_1, window_bounds = array<i64: 1, 128, 128>}]} {
    %get3A = arith.constant 0 : index
    %get3A_0 = arith.constant 0 : index
    %get3A_1 = arith.constant 0 : index
    %get3A_2 = vector.load %arg2[%get3A, %get3A_0, %get3A_1] : memref<1x128x4096xf32, #tpu.memory_space<vmem>>, vector<1x128x4096xf32>
    %get3A_3 = vector.shape_cast %get3A_2 : vector<1x128x4096xf32> to vector<128x4096xf32>
    %le3A = arith.constant 1.600000e-01 : f32
    %le3A_4 = vector.broadcast %le3A : f32 to vector<128x4096xf32>
    %le3A_5 = arith.cmpf ole, %get3A_3, %le3A_4 : vector<128x4096xf32>
    %convert_element_type3A = arith.extui %le3A_5 : vector<128x4096xi1> to vector<128x4096xi32>
    %jit3A = arith.constant 0 : i32
    %pad3A = vector.broadcast %jit3A : i32 to vector<128x1xi32>
    %pad3A_6 = tpu.concatenate %pad3A, %convert_element_type3A in 1 : vector<128x1xi32>, vector<128x4096xi32> -> vector<128x4097xi32>
    %slice3A = vector.extract_strided_slice %pad3A_6 {offsets = [0, 0], sizes = [128, 4096], strides = [1, 1]} : vector<128x4097xi32> to vector<128x4096xi32>
    %add3A = arith.addi %convert_element_type3A, %slice3A : vector<128x4096xi32>
    %jit3A_7 = arith.constant 0 : i32
    %pad3A_8 = vector.broadcast %jit3A_7 : i32 to vector<128x2xi32>
    %pad3A_9 = tpu.concatenate %pad3A_8, %add3A in 1 : vector<128x2xi32>, vector<128x4096xi32> -> vector<128x4098xi32>
    %slice3A_10 = vector.extract_strided_slice %pad3A_9 {offsets = [0, 0], sizes = [128, 4096], strides = [1, 1]} : vector<128x4098xi32> to vector<128x4096xi32>
    %add3A_11 = arith.addi %add3A, %slice3A_10 : vector<128x4096xi32>
    %jit3A_12 = arith.constant 0 : i32
    %pad3A_13 = vector.broadcast %jit3A_12 : i32 to vector<128x4xi32>
    %pad3A_14 = tpu.concatenate %pad3A_13, %add3A_11 in 1 : vector<128x4xi32>, vector<128x4096xi32> -> vector<128x4100xi32>
    %slice3A_15 = vector.extract_strided_slice %pad3A_14 {offsets = [0, 0], sizes = [128, 4096], strides = [1, 1]} : vector<128x4100xi32> to vector<128x4096xi32>
    %add3A_16 = arith.addi %add3A_11, %slice3A_15 : vector<128x4096xi32>
    %jit3A_17 = arith.constant 0 : i32
    %pad3A_18 = vector.broadcast %jit3A_17 : i32 to vector<128x8xi32>
    %pad3A_19 = tpu.concatenate %pad3A_18, %add3A_16 in 1 : vector<128x8xi32>, vector<128x4096xi32> -> vector<128x4104xi32>
    %slice3A_20 = vector.extract_strided_slice %pad3A_19 {offsets = [0, 0], sizes = [128, 4096], strides = [1, 1]} : vector<128x4104xi32> to vector<128x4096xi32>
    %add3A_21 = arith.addi %add3A_16, %slice3A_20 : vector<128x4096xi32>
    %jit3A_22 = arith.constant 0 : i32
    %pad3A_23 = vector.broadcast %jit3A_22 : i32 to vector<128x16xi32>
    %pad3A_24 = tpu.concatenate %pad3A_23, %add3A_21 in 1 : vector<128x16xi32>, vector<128x4096xi32> -> vector<128x4112xi32>
    %slice3A_25 = vector.extract_strided_slice %pad3A_24 {offsets = [0, 0], sizes = [128, 4096], strides = [1, 1]} : vector<128x4112xi32> to vector<128x4096xi32>
    %add3A_26 = arith.addi %add3A_21, %slice3A_25 : vector<128x4096xi32>
    %jit3A_27 = arith.constant 0 : i32
    %pad3A_28 = vector.broadcast %jit3A_27 : i32 to vector<128x32xi32>
    %pad3A_29 = tpu.concatenate %pad3A_28, %add3A_26 in 1 : vector<128x32xi32>, vector<128x4096xi32> -> vector<128x4128xi32>
    %slice3A_30 = vector.extract_strided_slice %pad3A_29 {offsets = [0, 0], sizes = [128, 4096], strides = [1, 1]} : vector<128x4128xi32> to vector<128x4096xi32>
    %add3A_31 = arith.addi %add3A_26, %slice3A_30 : vector<128x4096xi32>
    %jit3A_32 = arith.constant 0 : i32
    %pad3A_33 = vector.broadcast %jit3A_32 : i32 to vector<128x64xi32>
    %pad3A_34 = tpu.concatenate %pad3A_33, %add3A_31 in 1 : vector<128x64xi32>, vector<128x4096xi32> -> vector<128x4160xi32>
    %slice3A_35 = vector.extract_strided_slice %pad3A_34 {offsets = [0, 0], sizes = [128, 4096], strides = [1, 1]} : vector<128x4160xi32> to vector<128x4096xi32>
    %add3A_36 = arith.addi %add3A_31, %slice3A_35 : vector<128x4096xi32>
    %jit3A_37 = arith.constant 0 : i32
    %pad3A_38 = vector.broadcast %jit3A_37 : i32 to vector<128x128xi32>
    %pad3A_39 = tpu.concatenate %pad3A_38, %add3A_36 in 1 : vector<128x128xi32>, vector<128x4096xi32> -> vector<128x4224xi32>
    %slice3A_40 = vector.extract_strided_slice %pad3A_39 {offsets = [0, 0], sizes = [128, 4096], strides = [1, 1]} : vector<128x4224xi32> to vector<128x4096xi32>
    %add3A_41 = arith.addi %add3A_36, %slice3A_40 : vector<128x4096xi32>
    %jit3A_42 = arith.constant 0 : i32
    %pad3A_43 = vector.broadcast %jit3A_42 : i32 to vector<128x256xi32>
    %pad3A_44 = tpu.concatenate %pad3A_43, %add3A_41 in 1 : vector<128x256xi32>, vector<128x4096xi32> -> vector<128x4352xi32>
    %slice3A_45 = vector.extract_strided_slice %pad3A_44 {offsets = [0, 0], sizes = [128, 4096], strides = [1, 1]} : vector<128x4352xi32> to vector<128x4096xi32>
    %add3A_46 = arith.addi %add3A_41, %slice3A_45 : vector<128x4096xi32>
    %jit3A_47 = arith.constant 0 : i32
    %pad3A_48 = vector.broadcast %jit3A_47 : i32 to vector<128x512xi32>
    %pad3A_49 = tpu.concatenate %pad3A_48, %add3A_46 in 1 : vector<128x512xi32>, vector<128x4096xi32> -> vector<128x4608xi32>
    %slice3A_50 = vector.extract_strided_slice %pad3A_49 {offsets = [0, 0], sizes = [128, 4096], strides = [1, 1]} : vector<128x4608xi32> to vector<128x4096xi32>
    %add3A_51 = arith.addi %add3A_46, %slice3A_50 : vector<128x4096xi32>
    %jit3A_52 = arith.constant 0 : i32
    %pad3A_53 = vector.broadcast %jit3A_52 : i32 to vector<128x1024xi32>
    %pad3A_54 = tpu.concatenate %pad3A_53, %add3A_51 in 1 : vector<128x1024xi32>, vector<128x4096xi32> -> vector<128x5120xi32>
    %slice3A_55 = vector.extract_strided_slice %pad3A_54 {offsets = [0, 0], sizes = [128, 4096], strides = [1, 1]} : vector<128x5120xi32> to vector<128x4096xi32>
    %add3A_56 = arith.addi %add3A_51, %slice3A_55 : vector<128x4096xi32>
    %jit3A_57 = arith.constant 0 : i32
    %pad3A_58 = vector.broadcast %jit3A_57 : i32 to vector<128x2048xi32>
    %pad3A_59 = tpu.concatenate %pad3A_58, %add3A_56 in 1 : vector<128x2048xi32>, vector<128x4096xi32> -> vector<128x6144xi32>
    %slice3A_60 = vector.extract_strided_slice %pad3A_59 {offsets = [0, 0], sizes = [128, 4096], strides = [1, 1]} : vector<128x6144xi32> to vector<128x4096xi32>
    %add3A_61 = arith.addi %add3A_56, %slice3A_60 : vector<128x4096xi32>
    %iota3A = tpu.iota {dimensions = array<i32: 1>} : vector<128x4096xi32>
    %iota3A_62 = tpu.iota {dimensions = array<i32: 1>} : vector<128x128xi32>
    %jit3A_63 = arith.constant 0 : i32
    %broadcast_in_dim3A = vector.broadcast %jit3A_63 : i32 to vector<128x4096xi32>
    %select_n3A = arith.select %le3A_5, %add3A_61, %broadcast_in_dim3A : vector<128x4096xi1>, vector<128x4096xi32>
    %broadcast_in_dim3A_64 = arith.constant 0 : i32
    %broadcast_in_dim3A_65 = vector.broadcast %broadcast_in_dim3A_64 : i32 to vector<128x128xi32>
    %scan3A = arith.constant 0 : i32
    %scan3A_66 = arith.constant 128 : i32
    %scan3A_67 = arith.addi %scan3A, %scan3A_66 : i32
    %scan3A_68 = arith.constant 1 : i32
    %scan3A_69 = scf.for %scan3A_88 = %scan3A to %scan3A_67 step %scan3A_68 iter_args(%scan3A_89 = %broadcast_in_dim3A_65) -> (vector<128x128xi32>)  : i32 {
      %add3A_90 = arith.constant 1 : i32
      %add3A_91 = arith.addi %scan3A_88, %add3A_90 : i32
      %eq3A_92 = vector.broadcast %add3A_91 : i32 to vector<128x4096xi32>
      %eq3A_93 = arith.cmpi eq, %select_n3A, %eq3A_92 : vector<128x4096xi32>
      %jit3A_94 = arith.constant 0 : i32
      %broadcast_in_dim3A_95 = vector.broadcast %jit3A_94 : i32 to vector<128x4096xi32>
      %select_n3A_96 = arith.select %eq3A_93, %iota3A, %broadcast_in_dim3A_95 : vector<128x4096xi1>, vector<128x4096xi32>
      %reduce_sum3A = arith.constant dense<0> : vector<128xi32>
      %reduce_sum3A_97 = vector.multi_reduction <add>, %select_n3A_96, %reduce_sum3A [1] : vector<128x4096xi32> to vector<128xi32>
      %broadcast_in_dim3A_98 = vector.shape_cast %reduce_sum3A_97 : vector<128xi32> to vector<128x1xi32>
      %eq3A_99 = vector.broadcast %scan3A_88 : i32 to vector<128x128xi32>
      %eq3A_100 = arith.cmpi eq, %iota3A_62, %eq3A_99 : vector<128x128xi32>
      %broadcast_in_dim3A_101 = vector.shape_cast %broadcast_in_dim3A_98 : vector<128x1xi32> to vector<128x1xi32>
      %broadcast_in_dim3A_102 = vector.broadcast %broadcast_in_dim3A_101 : vector<128x1xi32> to vector<128x128xi32>
      %select_n3A_103 = arith.select %eq3A_100, %broadcast_in_dim3A_102, %scan3A_89 : vector<128x128xi1>, vector<128x128xi32>
      scf.yield %select_n3A_103 : vector<128x128xi32>
    }
    %scan3A_70 = arith.constant 128 : i32
    %slice3A_71 = vector.extract_strided_slice %add3A_61 {offsets = [0, 4095], sizes = [128, 1], strides = [1, 1]} : vector<128x4096xi32> to vector<128x1xi32>
    %lt3A = vector.broadcast %slice3A_71 : vector<128x1xi32> to vector<128x128xi32>
    %lt3A_72 = arith.cmpi slt, %iota3A_62, %lt3A : vector<128x128xi32>
    %slice3A_73 = vector.extract_strided_slice %scan3A_69 {offsets = [0, 0], sizes = [128, 1], strides = [1, 1]} : vector<128x128xi32> to vector<128x1xi32>
    %broadcast_in_dim3A_74 = vector.shape_cast %slice3A_73 : vector<128x1xi32> to vector<128x1xi32>
    %broadcast_in_dim3A_75 = vector.broadcast %broadcast_in_dim3A_74 : vector<128x1xi32> to vector<128x128xi32>
    %select_n3A_76 = arith.select %lt3A_72, %scan3A_69, %broadcast_in_dim3A_75 : vector<128x128xi1>, vector<128x128xi32>
    %eq3A = arith.constant 0 : i32
    %eq3A_77 = vector.broadcast %eq3A : i32 to vector<128x1xi32>
    %eq3A_78 = arith.cmpi eq, %slice3A_71, %eq3A_77 : vector<128x1xi32>
    %jit3A_79 = arith.constant 4096 : i32
    %broadcast_in_dim3A_80 = vector.shape_cast %eq3A_78 : vector<128x1xi1> to vector<128x1xi1>
    %broadcast_in_dim3A_81 = vector.broadcast %broadcast_in_dim3A_80 : vector<128x1xi1> to vector<128x128xi1>
    %broadcast_in_dim3A_82 = vector.broadcast %jit3A_79 : i32 to vector<128x128xi32>
    %select_n3A_83 = arith.select %broadcast_in_dim3A_81, %broadcast_in_dim3A_82, %select_n3A_76 : vector<128x128xi1>, vector<128x128xi32>
    %broadcast_in_dim3A_84 = vector.shape_cast %select_n3A_83 : vector<128x128xi32> to vector<1x128x128xi32>
    %swap3A = arith.constant 0 : index
    %swap3A_85 = arith.constant 0 : index
    %swap3A_86 = arith.constant 0 : index
    %swap3A_87 = vector.load %arg3[%swap3A, %swap3A_85, %swap3A_86] : memref<1x128x128xi32, #tpu.memory_space<vmem>>, vector<1x128x128xi32>
    tpu.vector_store %arg3[%swap3A, %swap3A_85, %swap3A_86], %broadcast_in_dim3A_84 {strides = array<i32>} : memref<1x128x128xi32, #tpu.memory_space<vmem>>, vector<1x128x128xi32>,
    return
  }
  func.func @transform_0(%arg0: i32, %arg1: i32) -> (i32, i32, i32) {
    %c0_i32 = arith.constant 0 : i32
    %c0_i32_0 = arith.constant 0 : i32
    return %arg0, %arg1, %c0_i32 : i32, i32, i32
  }
  func.func @transform_1(%arg0: i32, %arg1: i32) -> (i32, i32, i32) {
    %c0_i32 = arith.constant 0 : i32
    %c0_i32_0 = arith.constant 0 : i32
    return %arg0, %arg1, %c0_i32 : i32, i32, i32
  }
}

module attributes {stable_mosaic.version = 14 : i64} {
  func.func @_fps_kern(%arg0: i32, %arg1: memref<1x3x512xf32, #tpu.memory_space<vmem>>, %arg2: memref<1x1x128xi32, #tpu.memory_space<vmem>>) attributes {dimension_semantics = [#tpu.dimension_semantics<arbitrary>], iteration_bounds = array<i64: 4>, scalar_prefetch = 0 : i64, scratch_operands = 0 : i64, tpu.core_type = #tpu.core_type<tc>, window_params = [{transform_indices = @transform_0, window_bounds = array<i64: 1, 3, 512>}, {transform_indices = @transform_1, window_bounds = array<i64: 1, 1, 128>}]} {
    %get3A = arith.constant 0 : index
    %get3A_0 = arith.constant 0 : index
    %get3A_1 = arith.constant 0 : index
    %get3A_2 = vector.load %arg1[%get3A, %get3A_0, %get3A_1] : memref<1x3x512xf32, #tpu.memory_space<vmem>>, vector<1x3x512xf32>
    %get3A_3 = vector.shape_cast %get3A_2 : vector<1x3x512xf32> to vector<3x512xf32>
    %iota3A = tpu.iota {dimensions = array<i32: 1>} : vector<1x512xi32>
    %iota3A_4 = tpu.iota {dimensions = array<i32: 1>} : vector<1x128xi32>
    %broadcast_in_dim3A = arith.constant 1.000000e+10 : f32
    %broadcast_in_dim3A_5 = vector.broadcast %broadcast_in_dim3A : f32 to vector<1x512xf32>
    %broadcast_in_dim3A_6 = arith.constant 0 : i32
    %broadcast_in_dim3A_7 = vector.broadcast %broadcast_in_dim3A_6 : i32 to vector<1x128xi32>
    %scan3A = arith.constant 0 : i32
    %scan3A_8 = arith.constant 0 : i32
    %scan3A_9 = arith.constant 128 : i32
    %scan3A_10 = arith.addi %scan3A_8, %scan3A_9 : i32
    %scan3A_11 = arith.constant 1 : i32
    %scan3A_12:3 = scf.for %scan3A_18 = %scan3A_8 to %scan3A_10 step %scan3A_11 iter_args(%scan3A_19 = %broadcast_in_dim3A_5, %scan3A_20 = %scan3A, %scan3A_21 = %broadcast_in_dim3A_7) -> (vector<1x512xf32>, i32, vector<1x128xi32>)  : i32 {
      %eq3A = vector.broadcast %scan3A_18 : i32 to vector<1x128xi32>
      %eq3A_22 = arith.cmpi eq, %iota3A_4, %eq3A : vector<1x128xi32>
      %broadcast_in_dim3A_23 = vector.broadcast %scan3A_20 : i32 to vector<1x128xi32>
      %select_n3A = arith.select %eq3A_22, %broadcast_in_dim3A_23, %scan3A_21 : vector<1x128xi1>, vector<1x128xi32>
      %eq3A_24 = vector.broadcast %scan3A_20 : i32 to vector<1x512xi32>
      %eq3A_25 = arith.cmpi eq, %iota3A, %eq3A_24 : vector<1x512xi32>
      %convert_element_type3A = arith.extui %eq3A_25 : vector<1x512xi1> to vector<1x512xi32>
      %convert_element_type3A_26 = arith.sitofp %convert_element_type3A : vector<1x512xi32> to vector<1x512xf32>
      %mul3A = vector.broadcast %convert_element_type3A_26 : vector<1x512xf32> to vector<3x512xf32>
      %mul3A_27 = arith.mulf %get3A_3, %mul3A : vector<3x512xf32>
      %reduce_sum3A = arith.constant dense<0.000000e+00> : vector<3xf32>
      %reduce_sum3A_28 = vector.multi_reduction <add>, %mul3A_27, %reduce_sum3A [1] : vector<3x512xf32> to vector<3xf32>
      %broadcast_in_dim3A_29 = vector.shape_cast %reduce_sum3A_28 : vector<3xf32> to vector<3x1xf32>
      %sub3A = vector.broadcast %broadcast_in_dim3A_29 : vector<3x1xf32> to vector<3x512xf32>
      %sub3A_30 = arith.subf %get3A_3, %sub3A : vector<3x512xf32>
      %integer_pow3A = arith.mulf %sub3A_30, %sub3A_30 : vector<3x512xf32>
      %reduce_sum3A_31 = arith.constant dense<0.000000e+00> : vector<512xf32>
      %reduce_sum3A_32 = vector.multi_reduction <add>, %integer_pow3A, %reduce_sum3A_31 [0] : vector<3x512xf32> to vector<512xf32>
      %broadcast_in_dim3A_33 = vector.shape_cast %reduce_sum3A_32 : vector<512xf32> to vector<1x512xf32>
      %min3A = arith.minimumf %scan3A_19, %broadcast_in_dim3A_33 : vector<1x512xf32>
      %reduce_max3A = vector.shape_cast %min3A : vector<1x512xf32> to vector<1x1x512xf32>
      %reduce_max3A_34 = arith.constant dense<0xFF800000> : vector<1xf32>
      %reduce_max3A_35 = vector.multi_reduction <maximumf>, %reduce_max3A, %reduce_max3A_34 [1, 2] : vector<1x1x512xf32> to vector<1xf32>
      %reduce_max3A_36 = vector.shape_cast %reduce_max3A_35 : vector<1xf32> to vector<1x1x1xf32>
      %reduce_max3A_37 = vector.extract %reduce_max3A_36[0, 0, 0] : f32 from vector<1x1x1xf32>
      %eq3A_38 = vector.broadcast %reduce_max3A_37 : f32 to vector<1x512xf32>
      %eq3A_39 = arith.cmpf oeq, %min3A, %eq3A_38 : vector<1x512xf32>
      %jit3A = arith.constant 512 : i32
      %broadcast_in_dim3A_40 = vector.broadcast %jit3A : i32 to vector<1x512xi32>
      %select_n3A_41 = arith.select %eq3A_39, %iota3A, %broadcast_in_dim3A_40 : vector<1x512xi1>, vector<1x512xi32>
      %reduce_min3A = vector.shape_cast %select_n3A_41 : vector<1x512xi32> to vector<1x1x512xi32>
      %reduce_min3A_42 = arith.constant dense<2147483647> : vector<1xi32>
      %reduce_min3A_43 = vector.multi_reduction <minsi>, %reduce_min3A, %reduce_min3A_42 [1, 2] : vector<1x1x512xi32> to vector<1xi32>
      %reduce_min3A_44 = vector.shape_cast %reduce_min3A_43 : vector<1xi32> to vector<1x1x1xi32>
      %reduce_min3A_45 = vector.extract %reduce_min3A_44[0, 0, 0] : i32 from vector<1x1x1xi32>
      scf.yield %min3A, %reduce_min3A_45, %select_n3A : vector<1x512xf32>, i32, vector<1x128xi32>
    }
    %scan3A_13 = arith.constant 128 : i32
    %broadcast_in_dim3A_14 = vector.shape_cast %scan3A_12#2 : vector<1x128xi32> to vector<1x1x128xi32>
    %swap3A = arith.constant 0 : index
    %swap3A_15 = arith.constant 0 : index
    %swap3A_16 = arith.constant 0 : index
    %swap3A_17 = vector.load %arg2[%swap3A, %swap3A_15, %swap3A_16] : memref<1x1x128xi32, #tpu.memory_space<vmem>>, vector<1x1x128xi32>
    tpu.vector_store %arg2[%swap3A, %swap3A_15, %swap3A_16], %broadcast_in_dim3A_14 {strides = array<i32>} : memref<1x1x128xi32, #tpu.memory_space<vmem>>, vector<1x1x128xi32>,
    return
  }
  func.func @transform_0(%arg0: i32) -> (i32, i32, i32) {
    %c0_i32 = arith.constant 0 : i32
    %c0_i32_0 = arith.constant 0 : i32
    %c0_i32_1 = arith.constant 0 : i32
    return %arg0, %c0_i32, %c0_i32_0 : i32, i32, i32
  }
  func.func @transform_1(%arg0: i32) -> (i32, i32, i32) {
    %c0_i32 = arith.constant 0 : i32
    %c0_i32_0 = arith.constant 0 : i32
    %c0_i32_1 = arith.constant 0 : i32
    return %arg0, %c0_i32, %c0_i32_0 : i32, i32, i32
  }
}

module attributes {stable_mosaic.version = 14 : i64} {
  func.func @_ball_kern(%arg0: i32, %arg1: i32, %arg2: memref<1x128x512xf32, #tpu.memory_space<vmem>>, %arg3: memref<1x128x128xi32, #tpu.memory_space<vmem>>) attributes {dimension_semantics = [#tpu.dimension_semantics<arbitrary>, #tpu.dimension_semantics<arbitrary>], iteration_bounds = array<i64: 4, 1>, scalar_prefetch = 0 : i64, scratch_operands = 0 : i64, tpu.core_type = #tpu.core_type<tc>, window_params = [{transform_indices = @transform_0, window_bounds = array<i64: 1, 128, 512>}, {transform_indices = @transform_1, window_bounds = array<i64: 1, 128, 128>}]} {
    %get3A = arith.constant 0 : index
    %get3A_0 = arith.constant 0 : index
    %get3A_1 = arith.constant 0 : index
    %get3A_2 = vector.load %arg2[%get3A, %get3A_0, %get3A_1] : memref<1x128x512xf32, #tpu.memory_space<vmem>>, vector<1x128x512xf32>
    %get3A_3 = vector.shape_cast %get3A_2 : vector<1x128x512xf32> to vector<128x512xf32>
    %le3A = arith.constant 6.400000e-01 : f32
    %le3A_4 = vector.broadcast %le3A : f32 to vector<128x512xf32>
    %le3A_5 = arith.cmpf ole, %get3A_3, %le3A_4 : vector<128x512xf32>
    %convert_element_type3A = arith.extui %le3A_5 : vector<128x512xi1> to vector<128x512xi32>
    %jit3A = arith.constant 0 : i32
    %pad3A = vector.broadcast %jit3A : i32 to vector<128x1xi32>
    %pad3A_6 = tpu.concatenate %pad3A, %convert_element_type3A in 1 : vector<128x1xi32>, vector<128x512xi32> -> vector<128x513xi32>
    %slice3A = vector.extract_strided_slice %pad3A_6 {offsets = [0, 0], sizes = [128, 512], strides = [1, 1]} : vector<128x513xi32> to vector<128x512xi32>
    %add3A = arith.addi %convert_element_type3A, %slice3A : vector<128x512xi32>
    %jit3A_7 = arith.constant 0 : i32
    %pad3A_8 = vector.broadcast %jit3A_7 : i32 to vector<128x2xi32>
    %pad3A_9 = tpu.concatenate %pad3A_8, %add3A in 1 : vector<128x2xi32>, vector<128x512xi32> -> vector<128x514xi32>
    %slice3A_10 = vector.extract_strided_slice %pad3A_9 {offsets = [0, 0], sizes = [128, 512], strides = [1, 1]} : vector<128x514xi32> to vector<128x512xi32>
    %add3A_11 = arith.addi %add3A, %slice3A_10 : vector<128x512xi32>
    %jit3A_12 = arith.constant 0 : i32
    %pad3A_13 = vector.broadcast %jit3A_12 : i32 to vector<128x4xi32>
    %pad3A_14 = tpu.concatenate %pad3A_13, %add3A_11 in 1 : vector<128x4xi32>, vector<128x512xi32> -> vector<128x516xi32>
    %slice3A_15 = vector.extract_strided_slice %pad3A_14 {offsets = [0, 0], sizes = [128, 512], strides = [1, 1]} : vector<128x516xi32> to vector<128x512xi32>
    %add3A_16 = arith.addi %add3A_11, %slice3A_15 : vector<128x512xi32>
    %jit3A_17 = arith.constant 0 : i32
    %pad3A_18 = vector.broadcast %jit3A_17 : i32 to vector<128x8xi32>
    %pad3A_19 = tpu.concatenate %pad3A_18, %add3A_16 in 1 : vector<128x8xi32>, vector<128x512xi32> -> vector<128x520xi32>
    %slice3A_20 = vector.extract_strided_slice %pad3A_19 {offsets = [0, 0], sizes = [128, 512], strides = [1, 1]} : vector<128x520xi32> to vector<128x512xi32>
    %add3A_21 = arith.addi %add3A_16, %slice3A_20 : vector<128x512xi32>
    %jit3A_22 = arith.constant 0 : i32
    %pad3A_23 = vector.broadcast %jit3A_22 : i32 to vector<128x16xi32>
    %pad3A_24 = tpu.concatenate %pad3A_23, %add3A_21 in 1 : vector<128x16xi32>, vector<128x512xi32> -> vector<128x528xi32>
    %slice3A_25 = vector.extract_strided_slice %pad3A_24 {offsets = [0, 0], sizes = [128, 512], strides = [1, 1]} : vector<128x528xi32> to vector<128x512xi32>
    %add3A_26 = arith.addi %add3A_21, %slice3A_25 : vector<128x512xi32>
    %jit3A_27 = arith.constant 0 : i32
    %pad3A_28 = vector.broadcast %jit3A_27 : i32 to vector<128x32xi32>
    %pad3A_29 = tpu.concatenate %pad3A_28, %add3A_26 in 1 : vector<128x32xi32>, vector<128x512xi32> -> vector<128x544xi32>
    %slice3A_30 = vector.extract_strided_slice %pad3A_29 {offsets = [0, 0], sizes = [128, 512], strides = [1, 1]} : vector<128x544xi32> to vector<128x512xi32>
    %add3A_31 = arith.addi %add3A_26, %slice3A_30 : vector<128x512xi32>
    %jit3A_32 = arith.constant 0 : i32
    %pad3A_33 = vector.broadcast %jit3A_32 : i32 to vector<128x64xi32>
    %pad3A_34 = tpu.concatenate %pad3A_33, %add3A_31 in 1 : vector<128x64xi32>, vector<128x512xi32> -> vector<128x576xi32>
    %slice3A_35 = vector.extract_strided_slice %pad3A_34 {offsets = [0, 0], sizes = [128, 512], strides = [1, 1]} : vector<128x576xi32> to vector<128x512xi32>
    %add3A_36 = arith.addi %add3A_31, %slice3A_35 : vector<128x512xi32>
    %jit3A_37 = arith.constant 0 : i32
    %pad3A_38 = vector.broadcast %jit3A_37 : i32 to vector<128x128xi32>
    %pad3A_39 = tpu.concatenate %pad3A_38, %add3A_36 in 1 : vector<128x128xi32>, vector<128x512xi32> -> vector<128x640xi32>
    %slice3A_40 = vector.extract_strided_slice %pad3A_39 {offsets = [0, 0], sizes = [128, 512], strides = [1, 1]} : vector<128x640xi32> to vector<128x512xi32>
    %add3A_41 = arith.addi %add3A_36, %slice3A_40 : vector<128x512xi32>
    %jit3A_42 = arith.constant 0 : i32
    %pad3A_43 = vector.broadcast %jit3A_42 : i32 to vector<128x256xi32>
    %pad3A_44 = tpu.concatenate %pad3A_43, %add3A_41 in 1 : vector<128x256xi32>, vector<128x512xi32> -> vector<128x768xi32>
    %slice3A_45 = vector.extract_strided_slice %pad3A_44 {offsets = [0, 0], sizes = [128, 512], strides = [1, 1]} : vector<128x768xi32> to vector<128x512xi32>
    %add3A_46 = arith.addi %add3A_41, %slice3A_45 : vector<128x512xi32>
    %iota3A = tpu.iota {dimensions = array<i32: 1>} : vector<128x512xi32>
    %iota3A_47 = tpu.iota {dimensions = array<i32: 1>} : vector<128x128xi32>
    %jit3A_48 = arith.constant 0 : i32
    %broadcast_in_dim3A = vector.broadcast %jit3A_48 : i32 to vector<128x512xi32>
    %select_n3A = arith.select %le3A_5, %add3A_46, %broadcast_in_dim3A : vector<128x512xi1>, vector<128x512xi32>
    %broadcast_in_dim3A_49 = arith.constant 0 : i32
    %broadcast_in_dim3A_50 = vector.broadcast %broadcast_in_dim3A_49 : i32 to vector<128x128xi32>
    %scan3A = arith.constant 0 : i32
    %scan3A_51 = arith.constant 128 : i32
    %scan3A_52 = arith.addi %scan3A, %scan3A_51 : i32
    %scan3A_53 = arith.constant 1 : i32
    %scan3A_54 = scf.for %scan3A_73 = %scan3A to %scan3A_52 step %scan3A_53 iter_args(%scan3A_74 = %broadcast_in_dim3A_50) -> (vector<128x128xi32>)  : i32 {
      %add3A_75 = arith.constant 1 : i32
      %add3A_76 = arith.addi %scan3A_73, %add3A_75 : i32
      %eq3A_77 = vector.broadcast %add3A_76 : i32 to vector<128x512xi32>
      %eq3A_78 = arith.cmpi eq, %select_n3A, %eq3A_77 : vector<128x512xi32>
      %jit3A_79 = arith.constant 0 : i32
      %broadcast_in_dim3A_80 = vector.broadcast %jit3A_79 : i32 to vector<128x512xi32>
      %select_n3A_81 = arith.select %eq3A_78, %iota3A, %broadcast_in_dim3A_80 : vector<128x512xi1>, vector<128x512xi32>
      %reduce_sum3A = arith.constant dense<0> : vector<128xi32>
      %reduce_sum3A_82 = vector.multi_reduction <add>, %select_n3A_81, %reduce_sum3A [1] : vector<128x512xi32> to vector<128xi32>
      %broadcast_in_dim3A_83 = vector.shape_cast %reduce_sum3A_82 : vector<128xi32> to vector<128x1xi32>
      %eq3A_84 = vector.broadcast %scan3A_73 : i32 to vector<128x128xi32>
      %eq3A_85 = arith.cmpi eq, %iota3A_47, %eq3A_84 : vector<128x128xi32>
      %broadcast_in_dim3A_86 = vector.shape_cast %broadcast_in_dim3A_83 : vector<128x1xi32> to vector<128x1xi32>
      %broadcast_in_dim3A_87 = vector.broadcast %broadcast_in_dim3A_86 : vector<128x1xi32> to vector<128x128xi32>
      %select_n3A_88 = arith.select %eq3A_85, %broadcast_in_dim3A_87, %scan3A_74 : vector<128x128xi1>, vector<128x128xi32>
      scf.yield %select_n3A_88 : vector<128x128xi32>
    }
    %scan3A_55 = arith.constant 128 : i32
    %slice3A_56 = vector.extract_strided_slice %add3A_46 {offsets = [0, 511], sizes = [128, 1], strides = [1, 1]} : vector<128x512xi32> to vector<128x1xi32>
    %lt3A = vector.broadcast %slice3A_56 : vector<128x1xi32> to vector<128x128xi32>
    %lt3A_57 = arith.cmpi slt, %iota3A_47, %lt3A : vector<128x128xi32>
    %slice3A_58 = vector.extract_strided_slice %scan3A_54 {offsets = [0, 0], sizes = [128, 1], strides = [1, 1]} : vector<128x128xi32> to vector<128x1xi32>
    %broadcast_in_dim3A_59 = vector.shape_cast %slice3A_58 : vector<128x1xi32> to vector<128x1xi32>
    %broadcast_in_dim3A_60 = vector.broadcast %broadcast_in_dim3A_59 : vector<128x1xi32> to vector<128x128xi32>
    %select_n3A_61 = arith.select %lt3A_57, %scan3A_54, %broadcast_in_dim3A_60 : vector<128x128xi1>, vector<128x128xi32>
    %eq3A = arith.constant 0 : i32
    %eq3A_62 = vector.broadcast %eq3A : i32 to vector<128x1xi32>
    %eq3A_63 = arith.cmpi eq, %slice3A_56, %eq3A_62 : vector<128x1xi32>
    %jit3A_64 = arith.constant 512 : i32
    %broadcast_in_dim3A_65 = vector.shape_cast %eq3A_63 : vector<128x1xi1> to vector<128x1xi1>
    %broadcast_in_dim3A_66 = vector.broadcast %broadcast_in_dim3A_65 : vector<128x1xi1> to vector<128x128xi1>
    %broadcast_in_dim3A_67 = vector.broadcast %jit3A_64 : i32 to vector<128x128xi32>
    %select_n3A_68 = arith.select %broadcast_in_dim3A_66, %broadcast_in_dim3A_67, %select_n3A_61 : vector<128x128xi1>, vector<128x128xi32>
    %broadcast_in_dim3A_69 = vector.shape_cast %select_n3A_68 : vector<128x128xi32> to vector<1x128x128xi32>
    %swap3A = arith.constant 0 : index
    %swap3A_70 = arith.constant 0 : index
    %swap3A_71 = arith.constant 0 : index
    %swap3A_72 = vector.load %arg3[%swap3A, %swap3A_70, %swap3A_71] : memref<1x128x128xi32, #tpu.memory_space<vmem>>, vector<1x128x128xi32>
    tpu.vector_store %arg3[%swap3A, %swap3A_70, %swap3A_71], %broadcast_in_dim3A_69 {strides = array<i32>} : memref<1x128x128xi32, #tpu.memory_space<vmem>>, vector<1x128x128xi32>,
    return
  }
  func.func @transform_0(%arg0: i32, %arg1: i32) -> (i32, i32, i32) {
    %c0_i32 = arith.constant 0 : i32
    %c0_i32_0 = arith.constant 0 : i32
    return %arg0, %arg1, %c0_i32 : i32, i32, i32
  }
  func.func @transform_1(%arg0: i32, %arg1: i32) -> (i32, i32, i32) {
    %c0_i32 = arith.constant 0 : i32
    %c0_i32_0 = arith.constant 0 : i32
    return %arg0, %arg1, %c0_i32 : i32, i32, i32
  }
}

module attributes {stable_mosaic.version = 14 : i64} {
  func.func @_ball_kern(%arg0: i32, %arg1: i32, %arg2: memref<1x128x512xf32, #tpu.memory_space<vmem>>, %arg3: memref<1x128x64xi32, #tpu.memory_space<vmem>>) attributes {dimension_semantics = [#tpu.dimension_semantics<arbitrary>, #tpu.dimension_semantics<arbitrary>], iteration_bounds = array<i64: 4, 1>, scalar_prefetch = 0 : i64, scratch_operands = 0 : i64, tpu.core_type = #tpu.core_type<tc>, window_params = [{transform_indices = @transform_0, window_bounds = array<i64: 1, 128, 512>}, {transform_indices = @transform_1, window_bounds = array<i64: 1, 128, 64>}]} {
    %get3A = arith.constant 0 : index
    %get3A_0 = arith.constant 0 : index
    %get3A_1 = arith.constant 0 : index
    %get3A_2 = vector.load %arg2[%get3A, %get3A_0, %get3A_1] : memref<1x128x512xf32, #tpu.memory_space<vmem>>, vector<1x128x512xf32>
    %get3A_3 = vector.shape_cast %get3A_2 : vector<1x128x512xf32> to vector<128x512xf32>
    %le3A = arith.constant 1.600000e-01 : f32
    %le3A_4 = vector.broadcast %le3A : f32 to vector<128x512xf32>
    %le3A_5 = arith.cmpf ole, %get3A_3, %le3A_4 : vector<128x512xf32>
    %convert_element_type3A = arith.extui %le3A_5 : vector<128x512xi1> to vector<128x512xi32>
    %jit3A = arith.constant 0 : i32
    %pad3A = vector.broadcast %jit3A : i32 to vector<128x1xi32>
    %pad3A_6 = tpu.concatenate %pad3A, %convert_element_type3A in 1 : vector<128x1xi32>, vector<128x512xi32> -> vector<128x513xi32>
    %slice3A = vector.extract_strided_slice %pad3A_6 {offsets = [0, 0], sizes = [128, 512], strides = [1, 1]} : vector<128x513xi32> to vector<128x512xi32>
    %add3A = arith.addi %convert_element_type3A, %slice3A : vector<128x512xi32>
    %jit3A_7 = arith.constant 0 : i32
    %pad3A_8 = vector.broadcast %jit3A_7 : i32 to vector<128x2xi32>
    %pad3A_9 = tpu.concatenate %pad3A_8, %add3A in 1 : vector<128x2xi32>, vector<128x512xi32> -> vector<128x514xi32>
    %slice3A_10 = vector.extract_strided_slice %pad3A_9 {offsets = [0, 0], sizes = [128, 512], strides = [1, 1]} : vector<128x514xi32> to vector<128x512xi32>
    %add3A_11 = arith.addi %add3A, %slice3A_10 : vector<128x512xi32>
    %jit3A_12 = arith.constant 0 : i32
    %pad3A_13 = vector.broadcast %jit3A_12 : i32 to vector<128x4xi32>
    %pad3A_14 = tpu.concatenate %pad3A_13, %add3A_11 in 1 : vector<128x4xi32>, vector<128x512xi32> -> vector<128x516xi32>
    %slice3A_15 = vector.extract_strided_slice %pad3A_14 {offsets = [0, 0], sizes = [128, 512], strides = [1, 1]} : vector<128x516xi32> to vector<128x512xi32>
    %add3A_16 = arith.addi %add3A_11, %slice3A_15 : vector<128x512xi32>
    %jit3A_17 = arith.constant 0 : i32
    %pad3A_18 = vector.broadcast %jit3A_17 : i32 to vector<128x8xi32>
    %pad3A_19 = tpu.concatenate %pad3A_18, %add3A_16 in 1 : vector<128x8xi32>, vector<128x512xi32> -> vector<128x520xi32>
    %slice3A_20 = vector.extract_strided_slice %pad3A_19 {offsets = [0, 0], sizes = [128, 512], strides = [1, 1]} : vector<128x520xi32> to vector<128x512xi32>
    %add3A_21 = arith.addi %add3A_16, %slice3A_20 : vector<128x512xi32>
    %jit3A_22 = arith.constant 0 : i32
    %pad3A_23 = vector.broadcast %jit3A_22 : i32 to vector<128x16xi32>
    %pad3A_24 = tpu.concatenate %pad3A_23, %add3A_21 in 1 : vector<128x16xi32>, vector<128x512xi32> -> vector<128x528xi32>
    %slice3A_25 = vector.extract_strided_slice %pad3A_24 {offsets = [0, 0], sizes = [128, 512], strides = [1, 1]} : vector<128x528xi32> to vector<128x512xi32>
    %add3A_26 = arith.addi %add3A_21, %slice3A_25 : vector<128x512xi32>
    %jit3A_27 = arith.constant 0 : i32
    %pad3A_28 = vector.broadcast %jit3A_27 : i32 to vector<128x32xi32>
    %pad3A_29 = tpu.concatenate %pad3A_28, %add3A_26 in 1 : vector<128x32xi32>, vector<128x512xi32> -> vector<128x544xi32>
    %slice3A_30 = vector.extract_strided_slice %pad3A_29 {offsets = [0, 0], sizes = [128, 512], strides = [1, 1]} : vector<128x544xi32> to vector<128x512xi32>
    %add3A_31 = arith.addi %add3A_26, %slice3A_30 : vector<128x512xi32>
    %jit3A_32 = arith.constant 0 : i32
    %pad3A_33 = vector.broadcast %jit3A_32 : i32 to vector<128x64xi32>
    %pad3A_34 = tpu.concatenate %pad3A_33, %add3A_31 in 1 : vector<128x64xi32>, vector<128x512xi32> -> vector<128x576xi32>
    %slice3A_35 = vector.extract_strided_slice %pad3A_34 {offsets = [0, 0], sizes = [128, 512], strides = [1, 1]} : vector<128x576xi32> to vector<128x512xi32>
    %add3A_36 = arith.addi %add3A_31, %slice3A_35 : vector<128x512xi32>
    %jit3A_37 = arith.constant 0 : i32
    %pad3A_38 = vector.broadcast %jit3A_37 : i32 to vector<128x128xi32>
    %pad3A_39 = tpu.concatenate %pad3A_38, %add3A_36 in 1 : vector<128x128xi32>, vector<128x512xi32> -> vector<128x640xi32>
    %slice3A_40 = vector.extract_strided_slice %pad3A_39 {offsets = [0, 0], sizes = [128, 512], strides = [1, 1]} : vector<128x640xi32> to vector<128x512xi32>
    %add3A_41 = arith.addi %add3A_36, %slice3A_40 : vector<128x512xi32>
    %jit3A_42 = arith.constant 0 : i32
    %pad3A_43 = vector.broadcast %jit3A_42 : i32 to vector<128x256xi32>
    %pad3A_44 = tpu.concatenate %pad3A_43, %add3A_41 in 1 : vector<128x256xi32>, vector<128x512xi32> -> vector<128x768xi32>
    %slice3A_45 = vector.extract_strided_slice %pad3A_44 {offsets = [0, 0], sizes = [128, 512], strides = [1, 1]} : vector<128x768xi32> to vector<128x512xi32>
    %add3A_46 = arith.addi %add3A_41, %slice3A_45 : vector<128x512xi32>
    %iota3A = tpu.iota {dimensions = array<i32: 1>} : vector<128x512xi32>
    %iota3A_47 = tpu.iota {dimensions = array<i32: 1>} : vector<128x64xi32>
    %jit3A_48 = arith.constant 0 : i32
    %broadcast_in_dim3A = vector.broadcast %jit3A_48 : i32 to vector<128x512xi32>
    %select_n3A = arith.select %le3A_5, %add3A_46, %broadcast_in_dim3A : vector<128x512xi1>, vector<128x512xi32>
    %broadcast_in_dim3A_49 = arith.constant 0 : i32
    %broadcast_in_dim3A_50 = vector.broadcast %broadcast_in_dim3A_49 : i32 to vector<128x64xi32>
    %scan3A = arith.constant 0 : i32
    %scan3A_51 = arith.constant 64 : i32
    %scan3A_52 = arith.addi %scan3A, %scan3A_51 : i32
    %scan3A_53 = arith.constant 1 : i32
    %scan3A_54 = scf.for %scan3A_73 = %scan3A to %scan3A_52 step %scan3A_53 iter_args(%scan3A_74 = %broadcast_in_dim3A_50) -> (vector<128x64xi32>)  : i32 {
      %add3A_75 = arith.constant 1 : i32
      %add3A_76 = arith.addi %scan3A_73, %add3A_75 : i32
      %eq3A_77 = vector.broadcast %add3A_76 : i32 to vector<128x512xi32>
      %eq3A_78 = arith.cmpi eq, %select_n3A, %eq3A_77 : vector<128x512xi32>
      %jit3A_79 = arith.constant 0 : i32
      %broadcast_in_dim3A_80 = vector.broadcast %jit3A_79 : i32 to vector<128x512xi32>
      %select_n3A_81 = arith.select %eq3A_78, %iota3A, %broadcast_in_dim3A_80 : vector<128x512xi1>, vector<128x512xi32>
      %reduce_sum3A = arith.constant dense<0> : vector<128xi32>
      %reduce_sum3A_82 = vector.multi_reduction <add>, %select_n3A_81, %reduce_sum3A [1] : vector<128x512xi32> to vector<128xi32>
      %broadcast_in_dim3A_83 = vector.shape_cast %reduce_sum3A_82 : vector<128xi32> to vector<128x1xi32>
      %eq3A_84 = vector.broadcast %scan3A_73 : i32 to vector<128x64xi32>
      %eq3A_85 = arith.cmpi eq, %iota3A_47, %eq3A_84 : vector<128x64xi32>
      %broadcast_in_dim3A_86 = vector.shape_cast %broadcast_in_dim3A_83 : vector<128x1xi32> to vector<128x1xi32>
      %broadcast_in_dim3A_87 = vector.broadcast %broadcast_in_dim3A_86 : vector<128x1xi32> to vector<128x64xi32>
      %select_n3A_88 = arith.select %eq3A_85, %broadcast_in_dim3A_87, %scan3A_74 : vector<128x64xi1>, vector<128x64xi32>
      scf.yield %select_n3A_88 : vector<128x64xi32>
    }
    %scan3A_55 = arith.constant 64 : i32
    %slice3A_56 = vector.extract_strided_slice %add3A_46 {offsets = [0, 511], sizes = [128, 1], strides = [1, 1]} : vector<128x512xi32> to vector<128x1xi32>
    %lt3A = vector.broadcast %slice3A_56 : vector<128x1xi32> to vector<128x64xi32>
    %lt3A_57 = arith.cmpi slt, %iota3A_47, %lt3A : vector<128x64xi32>
    %slice3A_58 = vector.extract_strided_slice %scan3A_54 {offsets = [0, 0], sizes = [128, 1], strides = [1, 1]} : vector<128x64xi32> to vector<128x1xi32>
    %broadcast_in_dim3A_59 = vector.shape_cast %slice3A_58 : vector<128x1xi32> to vector<128x1xi32>
    %broadcast_in_dim3A_60 = vector.broadcast %broadcast_in_dim3A_59 : vector<128x1xi32> to vector<128x64xi32>
    %select_n3A_61 = arith.select %lt3A_57, %scan3A_54, %broadcast_in_dim3A_60 : vector<128x64xi1>, vector<128x64xi32>
    %eq3A = arith.constant 0 : i32
    %eq3A_62 = vector.broadcast %eq3A : i32 to vector<128x1xi32>
    %eq3A_63 = arith.cmpi eq, %slice3A_56, %eq3A_62 : vector<128x1xi32>
    %jit3A_64 = arith.constant 512 : i32
    %broadcast_in_dim3A_65 = vector.shape_cast %eq3A_63 : vector<128x1xi1> to vector<128x1xi1>
    %broadcast_in_dim3A_66 = vector.broadcast %broadcast_in_dim3A_65 : vector<128x1xi1> to vector<128x64xi1>
    %broadcast_in_dim3A_67 = vector.broadcast %jit3A_64 : i32 to vector<128x64xi32>
    %select_n3A_68 = arith.select %broadcast_in_dim3A_66, %broadcast_in_dim3A_67, %select_n3A_61 : vector<128x64xi1>, vector<128x64xi32>
    %broadcast_in_dim3A_69 = vector.shape_cast %select_n3A_68 : vector<128x64xi32> to vector<1x128x64xi32>
    %swap3A = arith.constant 0 : index
    %swap3A_70 = arith.constant 0 : index
    %swap3A_71 = arith.constant 0 : index
    %swap3A_72 = vector.load %arg3[%swap3A, %swap3A_70, %swap3A_71] : memref<1x128x64xi32, #tpu.memory_space<vmem>>, vector<1x128x64xi32>
    tpu.vector_store %arg3[%swap3A, %swap3A_70, %swap3A_71], %broadcast_in_dim3A_69 {strides = array<i32>} : memref<1x128x64xi32, #tpu.memory_space<vmem>>, vector<1x128x64xi32>,
    return
  }
  func.func @transform_0(%arg0: i32, %arg1: i32) -> (i32, i32, i32) {
    %c0_i32 = arith.constant 0 : i32
    %c0_i32_0 = arith.constant 0 : i32
    return %arg0, %arg1, %c0_i32 : i32, i32, i32
  }
  func.func @transform_1(%arg0: i32, %arg1: i32) -> (i32, i32, i32) {
    %c0_i32 = arith.constant 0 : i32
    %c0_i32_0 = arith.constant 0 : i32
    return %arg0, %arg1, %c0_i32 : i32, i32, i32
  }
}

module attributes {stable_mosaic.version = 14 : i64} {
  func.func @_mlp_max_kern(%arg0: i32, %arg1: memref<512x3xf32, #tpu.memory_space<vmem>>, %arg2: memref<3x64xf32, #tpu.memory_space<vmem>>, %arg3: memref<1x64xf32, #tpu.memory_space<vmem>>, %arg4: memref<64x64xf32, #tpu.memory_space<vmem>>, %arg5: memref<1x64xf32, #tpu.memory_space<vmem>>, %arg6: memref<64x128xf32, #tpu.memory_space<vmem>>, %arg7: memref<1x128xf32, #tpu.memory_space<vmem>>, %arg8: memref<16x128xf32, #tpu.memory_space<vmem>>) attributes {dimension_semantics = [#tpu.dimension_semantics<arbitrary>], iteration_bounds = array<i64: 128>, scalar_prefetch = 0 : i64, scratch_operands = 0 : i64, tpu.core_type = #tpu.core_type<tc>, window_params = [{transform_indices = @transform_0, window_bounds = array<i64: 512, 3>}, {pipeline_mode = #tpu.pipeline_mode<synchronous>, transform_indices = @transform_1, window_bounds = array<i64: 3, 64>}, {pipeline_mode = #tpu.pipeline_mode<synchronous>, transform_indices = @transform_2, window_bounds = array<i64: 1, 64>}, {pipeline_mode = #tpu.pipeline_mode<synchronous>, transform_indices = @transform_3, window_bounds = array<i64: 64, 64>}, {pipeline_mode = #tpu.pipeline_mode<synchronous>, transform_indices = @transform_4, window_bounds = array<i64: 1, 64>}, {pipeline_mode = #tpu.pipeline_mode<synchronous>, transform_indices = @transform_5, window_bounds = array<i64: 64, 128>}, {pipeline_mode = #tpu.pipeline_mode<synchronous>, transform_indices = @transform_6, window_bounds = array<i64: 1, 128>}, {transform_indices = @transform_7, window_bounds = array<i64: 16, 128>}]} {
    %get3A = arith.constant 0 : index
    %get3A_0 = arith.constant 0 : index
    %get3A_1 = vector.load %arg1[%get3A, %get3A_0] : memref<512x3xf32, #tpu.memory_space<vmem>>, vector<512x3xf32>
    %get3A_2 = arith.constant 0 : index
    %get3A_3 = arith.constant 0 : index
    %get3A_4 = vector.load %arg2[%get3A_2, %get3A_3] : memref<3x64xf32, #tpu.memory_space<vmem>>, vector<3x64xf32>
    %dot_general3A = arith.constant dense<0.000000e+00> : vector<512x64xf32>
    %dot_general3A_5 = tpu.matmul %get3A_1, %get3A_4, %dot_general3A {dimension_numbers = #tpu.dot_dimension_numbers<[1], [0], [0], [1], [0, 0, 1, 1], [], []>, transpose_lhs_hint = false} : vector<512x3xf32>, vector<3x64xf32>, vector<512x64xf32> -> vector<512x64xf32>
    %get3A_6 = arith.constant 0 : index
    %get3A_7 = arith.constant 0 : index
    %get3A_8 = vector.load %arg3[%get3A_6, %get3A_7] : memref<1x64xf32, #tpu.memory_space<vmem>>, vector<1x64xf32>
    %add3A = vector.broadcast %get3A_8 : vector<1x64xf32> to vector<512x64xf32>
    %add3A_9 = arith.addf %dot_general3A_5, %add3A : vector<512x64xf32>
    %max3A = arith.constant 0.000000e+00 : f32
    %max3A_10 = vector.broadcast %max3A : f32 to vector<512x64xf32>
    %max3A_11 = arith.maximumf %add3A_9, %max3A_10 : vector<512x64xf32>
    %get3A_12 = arith.constant 0 : index
    %get3A_13 = arith.constant 0 : index
    %get3A_14 = vector.load %arg4[%get3A_12, %get3A_13] : memref<64x64xf32, #tpu.memory_space<vmem>>, vector<64x64xf32>
    %dot_general3A_15 = arith.constant dense<0.000000e+00> : vector<512x64xf32>
    %dot_general3A_16 = tpu.matmul %max3A_11, %get3A_14, %dot_general3A_15 {dimension_numbers = #tpu.dot_dimension_numbers<[1], [0], [0], [1], [0, 0, 1, 1], [], []>, transpose_lhs_hint = false} : vector<512x64xf32>, vector<64x64xf32>, vector<512x64xf32> -> vector<512x64xf32>
    %get3A_17 = arith.constant 0 : index
    %get3A_18 = arith.constant 0 : index
    %get3A_19 = vector.load %arg5[%get3A_17, %get3A_18] : memref<1x64xf32, #tpu.memory_space<vmem>>, vector<1x64xf32>
    %add3A_20 = vector.broadcast %get3A_19 : vector<1x64xf32> to vector<512x64xf32>
    %add3A_21 = arith.addf %dot_general3A_16, %add3A_20 : vector<512x64xf32>
    %max3A_22 = arith.constant 0.000000e+00 : f32
    %max3A_23 = vector.broadcast %max3A_22 : f32 to vector<512x64xf32>
    %max3A_24 = arith.maximumf %add3A_21, %max3A_23 : vector<512x64xf32>
    %get3A_25 = arith.constant 0 : index
    %get3A_26 = arith.constant 0 : index
    %get3A_27 = vector.load %arg6[%get3A_25, %get3A_26] : memref<64x128xf32, #tpu.memory_space<vmem>>, vector<64x128xf32>
    %dot_general3A_28 = arith.constant dense<0.000000e+00> : vector<512x128xf32>
    %dot_general3A_29 = tpu.matmul %max3A_24, %get3A_27, %dot_general3A_28 {dimension_numbers = #tpu.dot_dimension_numbers<[1], [0], [0], [1], [0, 0, 1, 1], [], []>, transpose_lhs_hint = false} : vector<512x64xf32>, vector<64x128xf32>, vector<512x128xf32> -> vector<512x128xf32>
    %get3A_30 = arith.constant 0 : index
    %get3A_31 = arith.constant 0 : index
    %get3A_32 = vector.load %arg7[%get3A_30, %get3A_31] : memref<1x128xf32, #tpu.memory_space<vmem>>, vector<1x128xf32>
    %add3A_33 = vector.broadcast %get3A_32 : vector<1x128xf32> to vector<512x128xf32>
    %add3A_34 = arith.addf %dot_general3A_29, %add3A_33 : vector<512x128xf32>
    %max3A_35 = arith.constant 0.000000e+00 : f32
    %max3A_36 = vector.broadcast %max3A_35 : f32 to vector<512x128xf32>
    %max3A_37 = arith.maximumf %add3A_34, %max3A_36 : vector<512x128xf32>
    %reshape3A = vector.shape_cast %max3A_37 : vector<512x128xf32> to vector<16x32x128xf32>
    %reduce_max3A = arith.constant dense<0xFF800000> : vector<16x128xf32>
    %reduce_max3A_38 = vector.multi_reduction <maximumf>, %reshape3A, %reduce_max3A [1] : vector<16x32x128xf32> to vector<16x128xf32>
    %swap3A = arith.constant 0 : index
    %swap3A_39 = arith.constant 0 : index
    %swap3A_40 = vector.load %arg8[%swap3A, %swap3A_39] : memref<16x128xf32, #tpu.memory_space<vmem>>, vector<16x128xf32>
    tpu.vector_store %arg8[%swap3A, %swap3A_39], %reduce_max3A_38 {strides = array<i32>} : memref<16x128xf32, #tpu.memory_space<vmem>>, vector<16x128xf32>,
    return
  }
  func.func @transform_0(%arg0: i32) -> (i32, i32) {
    %c0_i32 = arith.constant 0 : i32
    %c0_i32_0 = arith.constant 0 : i32
    return %arg0, %c0_i32 : i32, i32
  }
  func.func @transform_1(%arg0: i32) -> (i32, i32) {
    %c0_i32 = arith.constant 0 : i32
    %c0_i32_0 = arith.constant 0 : i32
    %c0_i32_1 = arith.constant 0 : i32
    return %c0_i32, %c0_i32_0 : i32, i32
  }
  func.func @transform_2(%arg0: i32) -> (i32, i32) {
    %c0_i32 = arith.constant 0 : i32
    %c0_i32_0 = arith.constant 0 : i32
    %c0_i32_1 = arith.constant 0 : i32
    return %c0_i32, %c0_i32_0 : i32, i32
  }
  func.func @transform_3(%arg0: i32) -> (i32, i32) {
    %c0_i32 = arith.constant 0 : i32
    %c0_i32_0 = arith.constant 0 : i32
    %c0_i32_1 = arith.constant 0 : i32
    return %c0_i32, %c0_i32_0 : i32, i32
  }
  func.func @transform_4(%arg0: i32) -> (i32, i32) {
    %c0_i32 = arith.constant 0 : i32
    %c0_i32_0 = arith.constant 0 : i32
    %c0_i32_1 = arith.constant 0 : i32
    return %c0_i32, %c0_i32_0 : i32, i32
  }
  func.func @transform_5(%arg0: i32) -> (i32, i32) {
    %c0_i32 = arith.constant 0 : i32
    %c0_i32_0 = arith.constant 0 : i32
    %c0_i32_1 = arith.constant 0 : i32
    return %c0_i32, %c0_i32_0 : i32, i32
  }
  func.func @transform_6(%arg0: i32) -> (i32, i32) {
    %c0_i32 = arith.constant 0 : i32
    %c0_i32_0 = arith.constant 0 : i32
    %c0_i32_1 = arith.constant 0 : i32
    return %c0_i32, %c0_i32_0 : i32, i32
  }
  func.func @transform_7(%arg0: i32) -> (i32, i32) {
    %c0_i32 = arith.constant 0 : i32
    %c0_i32_0 = arith.constant 0 : i32
    return %arg0, %c0_i32 : i32, i32
  }
}

module attributes {stable_mosaic.version = 14 : i64} {
  func.func @_mlp_max_kern(%arg0: i32, %arg1: memref<256x3xf32, #tpu.memory_space<vmem>>, %arg2: memref<3x32xf32, #tpu.memory_space<vmem>>, %arg3: memref<1x32xf32, #tpu.memory_space<vmem>>, %arg4: memref<32x32xf32, #tpu.memory_space<vmem>>, %arg5: memref<1x32xf32, #tpu.memory_space<vmem>>, %arg6: memref<32x64xf32, #tpu.memory_space<vmem>>, %arg7: memref<1x64xf32, #tpu.memory_space<vmem>>, %arg8: memref<16x64xf32, #tpu.memory_space<vmem>>) attributes {dimension_semantics = [#tpu.dimension_semantics<arbitrary>], iteration_bounds = array<i64: 128>, scalar_prefetch = 0 : i64, scratch_operands = 0 : i64, tpu.core_type = #tpu.core_type<tc>, window_params = [{transform_indices = @transform_0, window_bounds = array<i64: 256, 3>}, {pipeline_mode = #tpu.pipeline_mode<synchronous>, transform_indices = @transform_1, window_bounds = array<i64: 3, 32>}, {pipeline_mode = #tpu.pipeline_mode<synchronous>, transform_indices = @transform_2, window_bounds = array<i64: 1, 32>}, {pipeline_mode = #tpu.pipeline_mode<synchronous>, transform_indices = @transform_3, window_bounds = array<i64: 32, 32>}, {pipeline_mode = #tpu.pipeline_mode<synchronous>, transform_indices = @transform_4, window_bounds = array<i64: 1, 32>}, {pipeline_mode = #tpu.pipeline_mode<synchronous>, transform_indices = @transform_5, window_bounds = array<i64: 32, 64>}, {pipeline_mode = #tpu.pipeline_mode<synchronous>, transform_indices = @transform_6, window_bounds = array<i64: 1, 64>}, {transform_indices = @transform_7, window_bounds = array<i64: 16, 64>}]} {
    %get3A = arith.constant 0 : index
    %get3A_0 = arith.constant 0 : index
    %get3A_1 = vector.load %arg1[%get3A, %get3A_0] : memref<256x3xf32, #tpu.memory_space<vmem>>, vector<256x3xf32>
    %get3A_2 = arith.constant 0 : index
    %get3A_3 = arith.constant 0 : index
    %get3A_4 = vector.load %arg2[%get3A_2, %get3A_3] : memref<3x32xf32, #tpu.memory_space<vmem>>, vector<3x32xf32>
    %dot_general3A = arith.constant dense<0.000000e+00> : vector<256x32xf32>
    %dot_general3A_5 = tpu.matmul %get3A_1, %get3A_4, %dot_general3A {dimension_numbers = #tpu.dot_dimension_numbers<[1], [0], [0], [1], [0, 0, 1, 1], [], []>, transpose_lhs_hint = false} : vector<256x3xf32>, vector<3x32xf32>, vector<256x32xf32> -> vector<256x32xf32>
    %get3A_6 = arith.constant 0 : index
    %get3A_7 = arith.constant 0 : index
    %get3A_8 = vector.load %arg3[%get3A_6, %get3A_7] : memref<1x32xf32, #tpu.memory_space<vmem>>, vector<1x32xf32>
    %add3A = vector.broadcast %get3A_8 : vector<1x32xf32> to vector<256x32xf32>
    %add3A_9 = arith.addf %dot_general3A_5, %add3A : vector<256x32xf32>
    %max3A = arith.constant 0.000000e+00 : f32
    %max3A_10 = vector.broadcast %max3A : f32 to vector<256x32xf32>
    %max3A_11 = arith.maximumf %add3A_9, %max3A_10 : vector<256x32xf32>
    %get3A_12 = arith.constant 0 : index
    %get3A_13 = arith.constant 0 : index
    %get3A_14 = vector.load %arg4[%get3A_12, %get3A_13] : memref<32x32xf32, #tpu.memory_space<vmem>>, vector<32x32xf32>
    %dot_general3A_15 = arith.constant dense<0.000000e+00> : vector<256x32xf32>
    %dot_general3A_16 = tpu.matmul %max3A_11, %get3A_14, %dot_general3A_15 {dimension_numbers = #tpu.dot_dimension_numbers<[1], [0], [0], [1], [0, 0, 1, 1], [], []>, transpose_lhs_hint = false} : vector<256x32xf32>, vector<32x32xf32>, vector<256x32xf32> -> vector<256x32xf32>
    %get3A_17 = arith.constant 0 : index
    %get3A_18 = arith.constant 0 : index
    %get3A_19 = vector.load %arg5[%get3A_17, %get3A_18] : memref<1x32xf32, #tpu.memory_space<vmem>>, vector<1x32xf32>
    %add3A_20 = vector.broadcast %get3A_19 : vector<1x32xf32> to vector<256x32xf32>
    %add3A_21 = arith.addf %dot_general3A_16, %add3A_20 : vector<256x32xf32>
    %max3A_22 = arith.constant 0.000000e+00 : f32
    %max3A_23 = vector.broadcast %max3A_22 : f32 to vector<256x32xf32>
    %max3A_24 = arith.maximumf %add3A_21, %max3A_23 : vector<256x32xf32>
    %get3A_25 = arith.constant 0 : index
    %get3A_26 = arith.constant 0 : index
    %get3A_27 = vector.load %arg6[%get3A_25, %get3A_26] : memref<32x64xf32, #tpu.memory_space<vmem>>, vector<32x64xf32>
    %dot_general3A_28 = arith.constant dense<0.000000e+00> : vector<256x64xf32>
    %dot_general3A_29 = tpu.matmul %max3A_24, %get3A_27, %dot_general3A_28 {dimension_numbers = #tpu.dot_dimension_numbers<[1], [0], [0], [1], [0, 0, 1, 1], [], []>, transpose_lhs_hint = false} : vector<256x32xf32>, vector<32x64xf32>, vector<256x64xf32> -> vector<256x64xf32>
    %get3A_30 = arith.constant 0 : index
    %get3A_31 = arith.constant 0 : index
    %get3A_32 = vector.load %arg7[%get3A_30, %get3A_31] : memref<1x64xf32, #tpu.memory_space<vmem>>, vector<1x64xf32>
    %add3A_33 = vector.broadcast %get3A_32 : vector<1x64xf32> to vector<256x64xf32>
    %add3A_34 = arith.addf %dot_general3A_29, %add3A_33 : vector<256x64xf32>
    %max3A_35 = arith.constant 0.000000e+00 : f32
    %max3A_36 = vector.broadcast %max3A_35 : f32 to vector<256x64xf32>
    %max3A_37 = arith.maximumf %add3A_34, %max3A_36 : vector<256x64xf32>
    %reshape3A = vector.shape_cast %max3A_37 : vector<256x64xf32> to vector<16x16x64xf32>
    %reduce_max3A = arith.constant dense<0xFF800000> : vector<16x64xf32>
    %reduce_max3A_38 = vector.multi_reduction <maximumf>, %reshape3A, %reduce_max3A [1] : vector<16x16x64xf32> to vector<16x64xf32>
    %swap3A = arith.constant 0 : index
    %swap3A_39 = arith.constant 0 : index
    %swap3A_40 = vector.load %arg8[%swap3A, %swap3A_39] : memref<16x64xf32, #tpu.memory_space<vmem>>, vector<16x64xf32>
    tpu.vector_store %arg8[%swap3A, %swap3A_39], %reduce_max3A_38 {strides = array<i32>} : memref<16x64xf32, #tpu.memory_space<vmem>>, vector<16x64xf32>,
    return
  }
  func.func @transform_0(%arg0: i32) -> (i32, i32) {
    %c0_i32 = arith.constant 0 : i32
    %c0_i32_0 = arith.constant 0 : i32
    return %arg0, %c0_i32 : i32, i32
  }
  func.func @transform_1(%arg0: i32) -> (i32, i32) {
    %c0_i32 = arith.constant 0 : i32
    %c0_i32_0 = arith.constant 0 : i32
    %c0_i32_1 = arith.constant 0 : i32
    return %c0_i32, %c0_i32_0 : i32, i32
  }
  func.func @transform_2(%arg0: i32) -> (i32, i32) {
    %c0_i32 = arith.constant 0 : i32
    %c0_i32_0 = arith.constant 0 : i32
    %c0_i32_1 = arith.constant 0 : i32
    return %c0_i32, %c0_i32_0 : i32, i32
  }
  func.func @transform_3(%arg0: i32) -> (i32, i32) {
    %c0_i32 = arith.constant 0 : i32
    %c0_i32_0 = arith.constant 0 : i32
    %c0_i32_1 = arith.constant 0 : i32
    return %c0_i32, %c0_i32_0 : i32, i32
  }
  func.func @transform_4(%arg0: i32) -> (i32, i32) {
    %c0_i32 = arith.constant 0 : i32
    %c0_i32_0 = arith.constant 0 : i32
    %c0_i32_1 = arith.constant 0 : i32
    return %c0_i32, %c0_i32_0 : i32, i32
  }
  func.func @transform_5(%arg0: i32) -> (i32, i32) {
    %c0_i32 = arith.constant 0 : i32
    %c0_i32_0 = arith.constant 0 : i32
    %c0_i32_1 = arith.constant 0 : i32
    return %c0_i32, %c0_i32_0 : i32, i32
  }
  func.func @transform_6(%arg0: i32) -> (i32, i32) {
    %c0_i32 = arith.constant 0 : i32
    %c0_i32_0 = arith.constant 0 : i32
    %c0_i32_1 = arith.constant 0 : i32
    return %c0_i32, %c0_i32_0 : i32, i32
  }
  func.func @transform_7(%arg0: i32) -> (i32, i32) {
    %c0_i32 = arith.constant 0 : i32
    %c0_i32_0 = arith.constant 0 : i32
    return %arg0, %c0_i32 : i32, i32
  }
}

module attributes {stable_mosaic.version = 14 : i64} {
  func.func @_mlp_max_kern(%arg0: i32, %arg1: memref<2048x3xf32, #tpu.memory_space<vmem>>, %arg2: memref<3x64xf32, #tpu.memory_space<vmem>>, %arg3: memref<1x64xf32, #tpu.memory_space<vmem>>, %arg4: memref<64x96xf32, #tpu.memory_space<vmem>>, %arg5: memref<1x96xf32, #tpu.memory_space<vmem>>, %arg6: memref<96x128xf32, #tpu.memory_space<vmem>>, %arg7: memref<1x128xf32, #tpu.memory_space<vmem>>, %arg8: memref<16x128xf32, #tpu.memory_space<vmem>>) attributes {dimension_semantics = [#tpu.dimension_semantics<arbitrary>], iteration_bounds = array<i64: 128>, scalar_prefetch = 0 : i64, scratch_operands = 0 : i64, tpu.core_type = #tpu.core_type<tc>, window_params = [{transform_indices = @transform_0, window_bounds = array<i64: 2048, 3>}, {pipeline_mode = #tpu.pipeline_mode<synchronous>, transform_indices = @transform_1, window_bounds = array<i64: 3, 64>}, {pipeline_mode = #tpu.pipeline_mode<synchronous>, transform_indices = @transform_2, window_bounds = array<i64: 1, 64>}, {pipeline_mode = #tpu.pipeline_mode<synchronous>, transform_indices = @transform_3, window_bounds = array<i64: 64, 96>}, {pipeline_mode = #tpu.pipeline_mode<synchronous>, transform_indices = @transform_4, window_bounds = array<i64: 1, 96>}, {pipeline_mode = #tpu.pipeline_mode<synchronous>, transform_indices = @transform_5, window_bounds = array<i64: 96, 128>}, {pipeline_mode = #tpu.pipeline_mode<synchronous>, transform_indices = @transform_6, window_bounds = array<i64: 1, 128>}, {transform_indices = @transform_7, window_bounds = array<i64: 16, 128>}]} {
    %get3A = arith.constant 0 : index
    %get3A_0 = arith.constant 0 : index
    %get3A_1 = vector.load %arg1[%get3A, %get3A_0] : memref<2048x3xf32, #tpu.memory_space<vmem>>, vector<2048x3xf32>
    %get3A_2 = arith.constant 0 : index
    %get3A_3 = arith.constant 0 : index
    %get3A_4 = vector.load %arg2[%get3A_2, %get3A_3] : memref<3x64xf32, #tpu.memory_space<vmem>>, vector<3x64xf32>
    %dot_general3A = arith.constant dense<0.000000e+00> : vector<2048x64xf32>
    %dot_general3A_5 = tpu.matmul %get3A_1, %get3A_4, %dot_general3A {dimension_numbers = #tpu.dot_dimension_numbers<[1], [0], [0], [1], [0, 0, 1, 1], [], []>, transpose_lhs_hint = false} : vector<2048x3xf32>, vector<3x64xf32>, vector<2048x64xf32> -> vector<2048x64xf32>
    %get3A_6 = arith.constant 0 : index
    %get3A_7 = arith.constant 0 : index
    %get3A_8 = vector.load %arg3[%get3A_6, %get3A_7] : memref<1x64xf32, #tpu.memory_space<vmem>>, vector<1x64xf32>
    %add3A = vector.broadcast %get3A_8 : vector<1x64xf32> to vector<2048x64xf32>
    %add3A_9 = arith.addf %dot_general3A_5, %add3A : vector<2048x64xf32>
    %max3A = arith.constant 0.000000e+00 : f32
    %max3A_10 = vector.broadcast %max3A : f32 to vector<2048x64xf32>
    %max3A_11 = arith.maximumf %add3A_9, %max3A_10 : vector<2048x64xf32>
    %get3A_12 = arith.constant 0 : index
    %get3A_13 = arith.constant 0 : index
    %get3A_14 = vector.load %arg4[%get3A_12, %get3A_13] : memref<64x96xf32, #tpu.memory_space<vmem>>, vector<64x96xf32>
    %dot_general3A_15 = arith.constant dense<0.000000e+00> : vector<2048x96xf32>
    %dot_general3A_16 = tpu.matmul %max3A_11, %get3A_14, %dot_general3A_15 {dimension_numbers = #tpu.dot_dimension_numbers<[1], [0], [0], [1], [0, 0, 1, 1], [], []>, transpose_lhs_hint = false} : vector<2048x64xf32>, vector<64x96xf32>, vector<2048x96xf32> -> vector<2048x96xf32>
    %get3A_17 = arith.constant 0 : index
    %get3A_18 = arith.constant 0 : index
    %get3A_19 = vector.load %arg5[%get3A_17, %get3A_18] : memref<1x96xf32, #tpu.memory_space<vmem>>, vector<1x96xf32>
    %add3A_20 = vector.broadcast %get3A_19 : vector<1x96xf32> to vector<2048x96xf32>
    %add3A_21 = arith.addf %dot_general3A_16, %add3A_20 : vector<2048x96xf32>
    %max3A_22 = arith.constant 0.000000e+00 : f32
    %max3A_23 = vector.broadcast %max3A_22 : f32 to vector<2048x96xf32>
    %max3A_24 = arith.maximumf %add3A_21, %max3A_23 : vector<2048x96xf32>
    %get3A_25 = arith.constant 0 : index
    %get3A_26 = arith.constant 0 : index
    %get3A_27 = vector.load %arg6[%get3A_25, %get3A_26] : memref<96x128xf32, #tpu.memory_space<vmem>>, vector<96x128xf32>
    %dot_general3A_28 = arith.constant dense<0.000000e+00> : vector<2048x128xf32>
    %dot_general3A_29 = tpu.matmul %max3A_24, %get3A_27, %dot_general3A_28 {dimension_numbers = #tpu.dot_dimension_numbers<[1], [0], [0], [1], [0, 0, 1, 1], [], []>, transpose_lhs_hint = false} : vector<2048x96xf32>, vector<96x128xf32>, vector<2048x128xf32> -> vector<2048x128xf32>
    %get3A_30 = arith.constant 0 : index
    %get3A_31 = arith.constant 0 : index
    %get3A_32 = vector.load %arg7[%get3A_30, %get3A_31] : memref<1x128xf32, #tpu.memory_space<vmem>>, vector<1x128xf32>
    %add3A_33 = vector.broadcast %get3A_32 : vector<1x128xf32> to vector<2048x128xf32>
    %add3A_34 = arith.addf %dot_general3A_29, %add3A_33 : vector<2048x128xf32>
    %max3A_35 = arith.constant 0.000000e+00 : f32
    %max3A_36 = vector.broadcast %max3A_35 : f32 to vector<2048x128xf32>
    %max3A_37 = arith.maximumf %add3A_34, %max3A_36 : vector<2048x128xf32>
    %reshape3A = vector.shape_cast %max3A_37 : vector<2048x128xf32> to vector<16x128x128xf32>
    %reduce_max3A = arith.constant dense<0xFF800000> : vector<16x128xf32>
    %reduce_max3A_38 = vector.multi_reduction <maximumf>, %reshape3A, %reduce_max3A [1] : vector<16x128x128xf32> to vector<16x128xf32>
    %swap3A = arith.constant 0 : index
    %swap3A_39 = arith.constant 0 : index
    %swap3A_40 = vector.load %arg8[%swap3A, %swap3A_39] : memref<16x128xf32, #tpu.memory_space<vmem>>, vector<16x128xf32>
    tpu.vector_store %arg8[%swap3A, %swap3A_39], %reduce_max3A_38 {strides = array<i32>} : memref<16x128xf32, #tpu.memory_space<vmem>>, vector<16x128xf32>,
    return
  }
  func.func @transform_0(%arg0: i32) -> (i32, i32) {
    %c0_i32 = arith.constant 0 : i32
    %c0_i32_0 = arith.constant 0 : i32
    return %arg0, %c0_i32 : i32, i32
  }
  func.func @transform_1(%arg0: i32) -> (i32, i32) {
    %c0_i32 = arith.constant 0 : i32
    %c0_i32_0 = arith.constant 0 : i32
    %c0_i32_1 = arith.constant 0 : i32
    return %c0_i32, %c0_i32_0 : i32, i32
  }
  func.func @transform_2(%arg0: i32) -> (i32, i32) {
    %c0_i32 = arith.constant 0 : i32
    %c0_i32_0 = arith.constant 0 : i32
    %c0_i32_1 = arith.constant 0 : i32
    return %c0_i32, %c0_i32_0 : i32, i32
  }
  func.func @transform_3(%arg0: i32) -> (i32, i32) {
    %c0_i32 = arith.constant 0 : i32
    %c0_i32_0 = arith.constant 0 : i32
    %c0_i32_1 = arith.constant 0 : i32
    return %c0_i32, %c0_i32_0 : i32, i32
  }
  func.func @transform_4(%arg0: i32) -> (i32, i32) {
    %c0_i32 = arith.constant 0 : i32
    %c0_i32_0 = arith.constant 0 : i32
    %c0_i32_1 = arith.constant 0 : i32
    return %c0_i32, %c0_i32_0 : i32, i32
  }
  func.func @transform_5(%arg0: i32) -> (i32, i32) {
    %c0_i32 = arith.constant 0 : i32
    %c0_i32_0 = arith.constant 0 : i32
    %c0_i32_1 = arith.constant 0 : i32
    return %c0_i32, %c0_i32_0 : i32, i32
  }
  func.func @transform_6(%arg0: i32) -> (i32, i32) {
    %c0_i32 = arith.constant 0 : i32
    %c0_i32_0 = arith.constant 0 : i32
    %c0_i32_1 = arith.constant 0 : i32
    return %c0_i32, %c0_i32_0 : i32, i32
  }
  func.func @transform_7(%arg0: i32) -> (i32, i32) {
    %c0_i32 = arith.constant 0 : i32
    %c0_i32_0 = arith.constant 0 : i32
    return %arg0, %c0_i32 : i32, i32
  }
}

module attributes {stable_mosaic.version = 14 : i64} {
  func.func @_ball_kern(%arg0: i32, %arg1: i32, %arg2: memref<1x128x512xf32, #tpu.memory_space<vmem>>, %arg3: memref<1x128x32xi32, #tpu.memory_space<vmem>>) attributes {dimension_semantics = [#tpu.dimension_semantics<arbitrary>, #tpu.dimension_semantics<arbitrary>], iteration_bounds = array<i64: 4, 1>, scalar_prefetch = 0 : i64, scratch_operands = 0 : i64, tpu.core_type = #tpu.core_type<tc>, window_params = [{transform_indices = @transform_0, window_bounds = array<i64: 1, 128, 512>}, {transform_indices = @transform_1, window_bounds = array<i64: 1, 128, 32>}]} {
    %get3A = arith.constant 0 : index
    %get3A_0 = arith.constant 0 : index
    %get3A_1 = arith.constant 0 : index
    %get3A_2 = vector.load %arg2[%get3A, %get3A_0, %get3A_1] : memref<1x128x512xf32, #tpu.memory_space<vmem>>, vector<1x128x512xf32>
    %get3A_3 = vector.shape_cast %get3A_2 : vector<1x128x512xf32> to vector<128x512xf32>
    %le3A = arith.constant 4.000000e-02 : f32
    %le3A_4 = vector.broadcast %le3A : f32 to vector<128x512xf32>
    %le3A_5 = arith.cmpf ole, %get3A_3, %le3A_4 : vector<128x512xf32>
    %convert_element_type3A = arith.extui %le3A_5 : vector<128x512xi1> to vector<128x512xi32>
    %jit3A = arith.constant 0 : i32
    %pad3A = vector.broadcast %jit3A : i32 to vector<128x1xi32>
    %pad3A_6 = tpu.concatenate %pad3A, %convert_element_type3A in 1 : vector<128x1xi32>, vector<128x512xi32> -> vector<128x513xi32>
    %slice3A = vector.extract_strided_slice %pad3A_6 {offsets = [0, 0], sizes = [128, 512], strides = [1, 1]} : vector<128x513xi32> to vector<128x512xi32>
    %add3A = arith.addi %convert_element_type3A, %slice3A : vector<128x512xi32>
    %jit3A_7 = arith.constant 0 : i32
    %pad3A_8 = vector.broadcast %jit3A_7 : i32 to vector<128x2xi32>
    %pad3A_9 = tpu.concatenate %pad3A_8, %add3A in 1 : vector<128x2xi32>, vector<128x512xi32> -> vector<128x514xi32>
    %slice3A_10 = vector.extract_strided_slice %pad3A_9 {offsets = [0, 0], sizes = [128, 512], strides = [1, 1]} : vector<128x514xi32> to vector<128x512xi32>
    %add3A_11 = arith.addi %add3A, %slice3A_10 : vector<128x512xi32>
    %jit3A_12 = arith.constant 0 : i32
    %pad3A_13 = vector.broadcast %jit3A_12 : i32 to vector<128x4xi32>
    %pad3A_14 = tpu.concatenate %pad3A_13, %add3A_11 in 1 : vector<128x4xi32>, vector<128x512xi32> -> vector<128x516xi32>
    %slice3A_15 = vector.extract_strided_slice %pad3A_14 {offsets = [0, 0], sizes = [128, 512], strides = [1, 1]} : vector<128x516xi32> to vector<128x512xi32>
    %add3A_16 = arith.addi %add3A_11, %slice3A_15 : vector<128x512xi32>
    %jit3A_17 = arith.constant 0 : i32
    %pad3A_18 = vector.broadcast %jit3A_17 : i32 to vector<128x8xi32>
    %pad3A_19 = tpu.concatenate %pad3A_18, %add3A_16 in 1 : vector<128x8xi32>, vector<128x512xi32> -> vector<128x520xi32>
    %slice3A_20 = vector.extract_strided_slice %pad3A_19 {offsets = [0, 0], sizes = [128, 512], strides = [1, 1]} : vector<128x520xi32> to vector<128x512xi32>
    %add3A_21 = arith.addi %add3A_16, %slice3A_20 : vector<128x512xi32>
    %jit3A_22 = arith.constant 0 : i32
    %pad3A_23 = vector.broadcast %jit3A_22 : i32 to vector<128x16xi32>
    %pad3A_24 = tpu.concatenate %pad3A_23, %add3A_21 in 1 : vector<128x16xi32>, vector<128x512xi32> -> vector<128x528xi32>
    %slice3A_25 = vector.extract_strided_slice %pad3A_24 {offsets = [0, 0], sizes = [128, 512], strides = [1, 1]} : vector<128x528xi32> to vector<128x512xi32>
    %add3A_26 = arith.addi %add3A_21, %slice3A_25 : vector<128x512xi32>
    %jit3A_27 = arith.constant 0 : i32
    %pad3A_28 = vector.broadcast %jit3A_27 : i32 to vector<128x32xi32>
    %pad3A_29 = tpu.concatenate %pad3A_28, %add3A_26 in 1 : vector<128x32xi32>, vector<128x512xi32> -> vector<128x544xi32>
    %slice3A_30 = vector.extract_strided_slice %pad3A_29 {offsets = [0, 0], sizes = [128, 512], strides = [1, 1]} : vector<128x544xi32> to vector<128x512xi32>
    %add3A_31 = arith.addi %add3A_26, %slice3A_30 : vector<128x512xi32>
    %jit3A_32 = arith.constant 0 : i32
    %pad3A_33 = vector.broadcast %jit3A_32 : i32 to vector<128x64xi32>
    %pad3A_34 = tpu.concatenate %pad3A_33, %add3A_31 in 1 : vector<128x64xi32>, vector<128x512xi32> -> vector<128x576xi32>
    %slice3A_35 = vector.extract_strided_slice %pad3A_34 {offsets = [0, 0], sizes = [128, 512], strides = [1, 1]} : vector<128x576xi32> to vector<128x512xi32>
    %add3A_36 = arith.addi %add3A_31, %slice3A_35 : vector<128x512xi32>
    %jit3A_37 = arith.constant 0 : i32
    %pad3A_38 = vector.broadcast %jit3A_37 : i32 to vector<128x128xi32>
    %pad3A_39 = tpu.concatenate %pad3A_38, %add3A_36 in 1 : vector<128x128xi32>, vector<128x512xi32> -> vector<128x640xi32>
    %slice3A_40 = vector.extract_strided_slice %pad3A_39 {offsets = [0, 0], sizes = [128, 512], strides = [1, 1]} : vector<128x640xi32> to vector<128x512xi32>
    %add3A_41 = arith.addi %add3A_36, %slice3A_40 : vector<128x512xi32>
    %jit3A_42 = arith.constant 0 : i32
    %pad3A_43 = vector.broadcast %jit3A_42 : i32 to vector<128x256xi32>
    %pad3A_44 = tpu.concatenate %pad3A_43, %add3A_41 in 1 : vector<128x256xi32>, vector<128x512xi32> -> vector<128x768xi32>
    %slice3A_45 = vector.extract_strided_slice %pad3A_44 {offsets = [0, 0], sizes = [128, 512], strides = [1, 1]} : vector<128x768xi32> to vector<128x512xi32>
    %add3A_46 = arith.addi %add3A_41, %slice3A_45 : vector<128x512xi32>
    %iota3A = tpu.iota {dimensions = array<i32: 1>} : vector<128x512xi32>
    %iota3A_47 = tpu.iota {dimensions = array<i32: 1>} : vector<128x32xi32>
    %jit3A_48 = arith.constant 0 : i32
    %broadcast_in_dim3A = vector.broadcast %jit3A_48 : i32 to vector<128x512xi32>
    %select_n3A = arith.select %le3A_5, %add3A_46, %broadcast_in_dim3A : vector<128x512xi1>, vector<128x512xi32>
    %broadcast_in_dim3A_49 = arith.constant 0 : i32
    %broadcast_in_dim3A_50 = vector.broadcast %broadcast_in_dim3A_49 : i32 to vector<128x32xi32>
    %scan3A = arith.constant 0 : i32
    %scan3A_51 = arith.constant 32 : i32
    %scan3A_52 = arith.addi %scan3A, %scan3A_51 : i32
    %scan3A_53 = arith.constant 1 : i32
    %scan3A_54 = scf.for %scan3A_73 = %scan3A to %scan3A_52 step %scan3A_53 iter_args(%scan3A_74 = %broadcast_in_dim3A_50) -> (vector<128x32xi32>)  : i32 {
      %add3A_75 = arith.constant 1 : i32
      %add3A_76 = arith.addi %scan3A_73, %add3A_75 : i32
      %eq3A_77 = vector.broadcast %add3A_76 : i32 to vector<128x512xi32>
      %eq3A_78 = arith.cmpi eq, %select_n3A, %eq3A_77 : vector<128x512xi32>
      %jit3A_79 = arith.constant 0 : i32
      %broadcast_in_dim3A_80 = vector.broadcast %jit3A_79 : i32 to vector<128x512xi32>
      %select_n3A_81 = arith.select %eq3A_78, %iota3A, %broadcast_in_dim3A_80 : vector<128x512xi1>, vector<128x512xi32>
      %reduce_sum3A = arith.constant dense<0> : vector<128xi32>
      %reduce_sum3A_82 = vector.multi_reduction <add>, %select_n3A_81, %reduce_sum3A [1] : vector<128x512xi32> to vector<128xi32>
      %broadcast_in_dim3A_83 = vector.shape_cast %reduce_sum3A_82 : vector<128xi32> to vector<128x1xi32>
      %eq3A_84 = vector.broadcast %scan3A_73 : i32 to vector<128x32xi32>
      %eq3A_85 = arith.cmpi eq, %iota3A_47, %eq3A_84 : vector<128x32xi32>
      %broadcast_in_dim3A_86 = vector.shape_cast %broadcast_in_dim3A_83 : vector<128x1xi32> to vector<128x1xi32>
      %broadcast_in_dim3A_87 = vector.broadcast %broadcast_in_dim3A_86 : vector<128x1xi32> to vector<128x32xi32>
      %select_n3A_88 = arith.select %eq3A_85, %broadcast_in_dim3A_87, %scan3A_74 : vector<128x32xi1>, vector<128x32xi32>
      scf.yield %select_n3A_88 : vector<128x32xi32>
    }
    %scan3A_55 = arith.constant 32 : i32
    %slice3A_56 = vector.extract_strided_slice %add3A_46 {offsets = [0, 511], sizes = [128, 1], strides = [1, 1]} : vector<128x512xi32> to vector<128x1xi32>
    %lt3A = vector.broadcast %slice3A_56 : vector<128x1xi32> to vector<128x32xi32>
    %lt3A_57 = arith.cmpi slt, %iota3A_47, %lt3A : vector<128x32xi32>
    %slice3A_58 = vector.extract_strided_slice %scan3A_54 {offsets = [0, 0], sizes = [128, 1], strides = [1, 1]} : vector<128x32xi32> to vector<128x1xi32>
    %broadcast_in_dim3A_59 = vector.shape_cast %slice3A_58 : vector<128x1xi32> to vector<128x1xi32>
    %broadcast_in_dim3A_60 = vector.broadcast %broadcast_in_dim3A_59 : vector<128x1xi32> to vector<128x32xi32>
    %select_n3A_61 = arith.select %lt3A_57, %scan3A_54, %broadcast_in_dim3A_60 : vector<128x32xi1>, vector<128x32xi32>
    %eq3A = arith.constant 0 : i32
    %eq3A_62 = vector.broadcast %eq3A : i32 to vector<128x1xi32>
    %eq3A_63 = arith.cmpi eq, %slice3A_56, %eq3A_62 : vector<128x1xi32>
    %jit3A_64 = arith.constant 512 : i32
    %broadcast_in_dim3A_65 = vector.shape_cast %eq3A_63 : vector<128x1xi1> to vector<128x1xi1>
    %broadcast_in_dim3A_66 = vector.broadcast %broadcast_in_dim3A_65 : vector<128x1xi1> to vector<128x32xi1>
    %broadcast_in_dim3A_67 = vector.broadcast %jit3A_64 : i32 to vector<128x32xi32>
    %select_n3A_68 = arith.select %broadcast_in_dim3A_66, %broadcast_in_dim3A_67, %select_n3A_61 : vector<128x32xi1>, vector<128x32xi32>
    %broadcast_in_dim3A_69 = vector.shape_cast %select_n3A_68 : vector<128x32xi32> to vector<1x128x32xi32>
    %swap3A = arith.constant 0 : index
    %swap3A_70 = arith.constant 0 : index
    %swap3A_71 = arith.constant 0 : index
    %swap3A_72 = vector.load %arg3[%swap3A, %swap3A_70, %swap3A_71] : memref<1x128x32xi32, #tpu.memory_space<vmem>>, vector<1x128x32xi32>
    tpu.vector_store %arg3[%swap3A, %swap3A_70, %swap3A_71], %broadcast_in_dim3A_69 {strides = array<i32>} : memref<1x128x32xi32, #tpu.memory_space<vmem>>, vector<1x128x32xi32>,
    return
  }
  func.func @transform_0(%arg0: i32, %arg1: i32) -> (i32, i32, i32) {
    %c0_i32 = arith.constant 0 : i32
    %c0_i32_0 = arith.constant 0 : i32
    return %arg0, %arg1, %c0_i32 : i32, i32, i32
  }
  func.func @transform_1(%arg0: i32, %arg1: i32) -> (i32, i32, i32) {
    %c0_i32 = arith.constant 0 : i32
    %c0_i32_0 = arith.constant 0 : i32
    return %arg0, %arg1, %c0_i32 : i32, i32, i32
  }
}

module attributes {stable_mosaic.version = 14 : i64} {
  func.func @_mlp_max_kern(%arg0: i32, %arg1: memref<2048x323xf32, #tpu.memory_space<vmem>>, %arg2: memref<323x128xf32, #tpu.memory_space<vmem>>, %arg3: memref<1x128xf32, #tpu.memory_space<vmem>>, %arg4: memref<128x128xf32, #tpu.memory_space<vmem>>, %arg5: memref<1x128xf32, #tpu.memory_space<vmem>>, %arg6: memref<128x256xf32, #tpu.memory_space<vmem>>, %arg7: memref<1x256xf32, #tpu.memory_space<vmem>>, %arg8: memref<16x256xf32, #tpu.memory_space<vmem>>) attributes {dimension_semantics = [#tpu.dimension_semantics<arbitrary>], iteration_bounds = array<i64: 32>, scalar_prefetch = 0 : i64, scratch_operands = 0 : i64, tpu.core_type = #tpu.core_type<tc>, window_params = [{transform_indices = @transform_0, window_bounds = array<i64: 2048, 323>}, {pipeline_mode = #tpu.pipeline_mode<synchronous>, transform_indices = @transform_1, window_bounds = array<i64: 323, 128>}, {pipeline_mode = #tpu.pipeline_mode<synchronous>, transform_indices = @transform_2, window_bounds = array<i64: 1, 128>}, {pipeline_mode = #tpu.pipeline_mode<synchronous>, transform_indices = @transform_3, window_bounds = array<i64: 128, 128>}, {pipeline_mode = #tpu.pipeline_mode<synchronous>, transform_indices = @transform_4, window_bounds = array<i64: 1, 128>}, {pipeline_mode = #tpu.pipeline_mode<synchronous>, transform_indices = @transform_5, window_bounds = array<i64: 128, 256>}, {pipeline_mode = #tpu.pipeline_mode<synchronous>, transform_indices = @transform_6, window_bounds = array<i64: 1, 256>}, {transform_indices = @transform_7, window_bounds = array<i64: 16, 256>}]} {
    %get3A = arith.constant 0 : index
    %get3A_0 = arith.constant 0 : index
    %get3A_1 = vector.load %arg1[%get3A, %get3A_0] : memref<2048x323xf32, #tpu.memory_space<vmem>>, vector<2048x323xf32>
    %get3A_2 = arith.constant 0 : index
    %get3A_3 = arith.constant 0 : index
    %get3A_4 = vector.load %arg2[%get3A_2, %get3A_3] : memref<323x128xf32, #tpu.memory_space<vmem>>, vector<323x128xf32>
    %dot_general3A = arith.constant dense<0.000000e+00> : vector<2048x128xf32>
    %dot_general3A_5 = tpu.matmul %get3A_1, %get3A_4, %dot_general3A {dimension_numbers = #tpu.dot_dimension_numbers<[1], [0], [0], [1], [0, 0, 1, 1], [], []>, transpose_lhs_hint = false} : vector<2048x323xf32>, vector<323x128xf32>, vector<2048x128xf32> -> vector<2048x128xf32>
    %get3A_6 = arith.constant 0 : index
    %get3A_7 = arith.constant 0 : index
    %get3A_8 = vector.load %arg3[%get3A_6, %get3A_7] : memref<1x128xf32, #tpu.memory_space<vmem>>, vector<1x128xf32>
    %add3A = vector.broadcast %get3A_8 : vector<1x128xf32> to vector<2048x128xf32>
    %add3A_9 = arith.addf %dot_general3A_5, %add3A : vector<2048x128xf32>
    %max3A = arith.constant 0.000000e+00 : f32
    %max3A_10 = vector.broadcast %max3A : f32 to vector<2048x128xf32>
    %max3A_11 = arith.maximumf %add3A_9, %max3A_10 : vector<2048x128xf32>
    %get3A_12 = arith.constant 0 : index
    %get3A_13 = arith.constant 0 : index
    %get3A_14 = vector.load %arg4[%get3A_12, %get3A_13] : memref<128x128xf32, #tpu.memory_space<vmem>>, vector<128x128xf32>
    %dot_general3A_15 = arith.constant dense<0.000000e+00> : vector<2048x128xf32>
    %dot_general3A_16 = tpu.matmul %max3A_11, %get3A_14, %dot_general3A_15 {dimension_numbers = #tpu.dot_dimension_numbers<[1], [0], [0], [1], [0, 0, 1, 1], [], []>, transpose_lhs_hint = false} : vector<2048x128xf32>, vector<128x128xf32>, vector<2048x128xf32> -> vector<2048x128xf32>
    %get3A_17 = arith.constant 0 : index
    %get3A_18 = arith.constant 0 : index
    %get3A_19 = vector.load %arg5[%get3A_17, %get3A_18] : memref<1x128xf32, #tpu.memory_space<vmem>>, vector<1x128xf32>
    %add3A_20 = vector.broadcast %get3A_19 : vector<1x128xf32> to vector<2048x128xf32>
    %add3A_21 = arith.addf %dot_general3A_16, %add3A_20 : vector<2048x128xf32>
    %max3A_22 = arith.constant 0.000000e+00 : f32
    %max3A_23 = vector.broadcast %max3A_22 : f32 to vector<2048x128xf32>
    %max3A_24 = arith.maximumf %add3A_21, %max3A_23 : vector<2048x128xf32>
    %get3A_25 = arith.constant 0 : index
    %get3A_26 = arith.constant 0 : index
    %get3A_27 = vector.load %arg6[%get3A_25, %get3A_26] : memref<128x256xf32, #tpu.memory_space<vmem>>, vector<128x256xf32>
    %dot_general3A_28 = arith.constant dense<0.000000e+00> : vector<2048x256xf32>
    %dot_general3A_29 = tpu.matmul %max3A_24, %get3A_27, %dot_general3A_28 {dimension_numbers = #tpu.dot_dimension_numbers<[1], [0], [0], [1], [0, 0, 1, 1], [], []>, transpose_lhs_hint = false} : vector<2048x128xf32>, vector<128x256xf32>, vector<2048x256xf32> -> vector<2048x256xf32>
    %get3A_30 = arith.constant 0 : index
    %get3A_31 = arith.constant 0 : index
    %get3A_32 = vector.load %arg7[%get3A_30, %get3A_31] : memref<1x256xf32, #tpu.memory_space<vmem>>, vector<1x256xf32>
    %add3A_33 = vector.broadcast %get3A_32 : vector<1x256xf32> to vector<2048x256xf32>
    %add3A_34 = arith.addf %dot_general3A_29, %add3A_33 : vector<2048x256xf32>
    %max3A_35 = arith.constant 0.000000e+00 : f32
    %max3A_36 = vector.broadcast %max3A_35 : f32 to vector<2048x256xf32>
    %max3A_37 = arith.maximumf %add3A_34, %max3A_36 : vector<2048x256xf32>
    %reshape3A = vector.shape_cast %max3A_37 : vector<2048x256xf32> to vector<16x128x256xf32>
    %reduce_max3A = arith.constant dense<0xFF800000> : vector<16x256xf32>
    %reduce_max3A_38 = vector.multi_reduction <maximumf>, %reshape3A, %reduce_max3A [1] : vector<16x128x256xf32> to vector<16x256xf32>
    %swap3A = arith.constant 0 : index
    %swap3A_39 = arith.constant 0 : index
    %swap3A_40 = vector.load %arg8[%swap3A, %swap3A_39] : memref<16x256xf32, #tpu.memory_space<vmem>>, vector<16x256xf32>
    tpu.vector_store %arg8[%swap3A, %swap3A_39], %reduce_max3A_38 {strides = array<i32>} : memref<16x256xf32, #tpu.memory_space<vmem>>, vector<16x256xf32>,
    return
  }
  func.func @transform_0(%arg0: i32) -> (i32, i32) {
    %c0_i32 = arith.constant 0 : i32
    %c0_i32_0 = arith.constant 0 : i32
    return %arg0, %c0_i32 : i32, i32
  }
  func.func @transform_1(%arg0: i32) -> (i32, i32) {
    %c0_i32 = arith.constant 0 : i32
    %c0_i32_0 = arith.constant 0 : i32
    %c0_i32_1 = arith.constant 0 : i32
    return %c0_i32, %c0_i32_0 : i32, i32
  }
  func.func @transform_2(%arg0: i32) -> (i32, i32) {
    %c0_i32 = arith.constant 0 : i32
    %c0_i32_0 = arith.constant 0 : i32
    %c0_i32_1 = arith.constant 0 : i32
    return %c0_i32, %c0_i32_0 : i32, i32
  }
  func.func @transform_3(%arg0: i32) -> (i32, i32) {
    %c0_i32 = arith.constant 0 : i32
    %c0_i32_0 = arith.constant 0 : i32
    %c0_i32_1 = arith.constant 0 : i32
    return %c0_i32, %c0_i32_0 : i32, i32
  }
  func.func @transform_4(%arg0: i32) -> (i32, i32) {
    %c0_i32 = arith.constant 0 : i32
    %c0_i32_0 = arith.constant 0 : i32
    %c0_i32_1 = arith.constant 0 : i32
    return %c0_i32, %c0_i32_0 : i32, i32
  }
  func.func @transform_5(%arg0: i32) -> (i32, i32) {
    %c0_i32 = arith.constant 0 : i32
    %c0_i32_0 = arith.constant 0 : i32
    %c0_i32_1 = arith.constant 0 : i32
    return %c0_i32, %c0_i32_0 : i32, i32
  }
  func.func @transform_6(%arg0: i32) -> (i32, i32) {
    %c0_i32 = arith.constant 0 : i32
    %c0_i32_0 = arith.constant 0 : i32
    %c0_i32_1 = arith.constant 0 : i32
    return %c0_i32, %c0_i32_0 : i32, i32
  }
  func.func @transform_7(%arg0: i32) -> (i32, i32) {
    %c0_i32 = arith.constant 0 : i32
    %c0_i32_0 = arith.constant 0 : i32
    return %arg0, %c0_i32 : i32, i32
  }
}

module attributes {stable_mosaic.version = 14 : i64} {
  func.func @_mlp_max_kern(%arg0: i32, %arg1: memref<1024x323xf32, #tpu.memory_space<vmem>>, %arg2: memref<323x128xf32, #tpu.memory_space<vmem>>, %arg3: memref<1x128xf32, #tpu.memory_space<vmem>>, %arg4: memref<128x128xf32, #tpu.memory_space<vmem>>, %arg5: memref<1x128xf32, #tpu.memory_space<vmem>>, %arg6: memref<128x256xf32, #tpu.memory_space<vmem>>, %arg7: memref<1x256xf32, #tpu.memory_space<vmem>>, %arg8: memref<16x256xf32, #tpu.memory_space<vmem>>) attributes {dimension_semantics = [#tpu.dimension_semantics<arbitrary>], iteration_bounds = array<i64: 32>, scalar_prefetch = 0 : i64, scratch_operands = 0 : i64, tpu.core_type = #tpu.core_type<tc>, window_params = [{transform_indices = @transform_0, window_bounds = array<i64: 1024, 323>}, {pipeline_mode = #tpu.pipeline_mode<synchronous>, transform_indices = @transform_1, window_bounds = array<i64: 323, 128>}, {pipeline_mode = #tpu.pipeline_mode<synchronous>, transform_indices = @transform_2, window_bounds = array<i64: 1, 128>}, {pipeline_mode = #tpu.pipeline_mode<synchronous>, transform_indices = @transform_3, window_bounds = array<i64: 128, 128>}, {pipeline_mode = #tpu.pipeline_mode<synchronous>, transform_indices = @transform_4, window_bounds = array<i64: 1, 128>}, {pipeline_mode = #tpu.pipeline_mode<synchronous>, transform_indices = @transform_5, window_bounds = array<i64: 128, 256>}, {pipeline_mode = #tpu.pipeline_mode<synchronous>, transform_indices = @transform_6, window_bounds = array<i64: 1, 256>}, {transform_indices = @transform_7, window_bounds = array<i64: 16, 256>}]} {
    %get3A = arith.constant 0 : index
    %get3A_0 = arith.constant 0 : index
    %get3A_1 = vector.load %arg1[%get3A, %get3A_0] : memref<1024x323xf32, #tpu.memory_space<vmem>>, vector<1024x323xf32>
    %get3A_2 = arith.constant 0 : index
    %get3A_3 = arith.constant 0 : index
    %get3A_4 = vector.load %arg2[%get3A_2, %get3A_3] : memref<323x128xf32, #tpu.memory_space<vmem>>, vector<323x128xf32>
    %dot_general3A = arith.constant dense<0.000000e+00> : vector<1024x128xf32>
    %dot_general3A_5 = tpu.matmul %get3A_1, %get3A_4, %dot_general3A {dimension_numbers = #tpu.dot_dimension_numbers<[1], [0], [0], [1], [0, 0, 1, 1], [], []>, transpose_lhs_hint = false} : vector<1024x323xf32>, vector<323x128xf32>, vector<1024x128xf32> -> vector<1024x128xf32>
    %get3A_6 = arith.constant 0 : index
    %get3A_7 = arith.constant 0 : index
    %get3A_8 = vector.load %arg3[%get3A_6, %get3A_7] : memref<1x128xf32, #tpu.memory_space<vmem>>, vector<1x128xf32>
    %add3A = vector.broadcast %get3A_8 : vector<1x128xf32> to vector<1024x128xf32>
    %add3A_9 = arith.addf %dot_general3A_5, %add3A : vector<1024x128xf32>
    %max3A = arith.constant 0.000000e+00 : f32
    %max3A_10 = vector.broadcast %max3A : f32 to vector<1024x128xf32>
    %max3A_11 = arith.maximumf %add3A_9, %max3A_10 : vector<1024x128xf32>
    %get3A_12 = arith.constant 0 : index
    %get3A_13 = arith.constant 0 : index
    %get3A_14 = vector.load %arg4[%get3A_12, %get3A_13] : memref<128x128xf32, #tpu.memory_space<vmem>>, vector<128x128xf32>
    %dot_general3A_15 = arith.constant dense<0.000000e+00> : vector<1024x128xf32>
    %dot_general3A_16 = tpu.matmul %max3A_11, %get3A_14, %dot_general3A_15 {dimension_numbers = #tpu.dot_dimension_numbers<[1], [0], [0], [1], [0, 0, 1, 1], [], []>, transpose_lhs_hint = false} : vector<1024x128xf32>, vector<128x128xf32>, vector<1024x128xf32> -> vector<1024x128xf32>
    %get3A_17 = arith.constant 0 : index
    %get3A_18 = arith.constant 0 : index
    %get3A_19 = vector.load %arg5[%get3A_17, %get3A_18] : memref<1x128xf32, #tpu.memory_space<vmem>>, vector<1x128xf32>
    %add3A_20 = vector.broadcast %get3A_19 : vector<1x128xf32> to vector<1024x128xf32>
    %add3A_21 = arith.addf %dot_general3A_16, %add3A_20 : vector<1024x128xf32>
    %max3A_22 = arith.constant 0.000000e+00 : f32
    %max3A_23 = vector.broadcast %max3A_22 : f32 to vector<1024x128xf32>
    %max3A_24 = arith.maximumf %add3A_21, %max3A_23 : vector<1024x128xf32>
    %get3A_25 = arith.constant 0 : index
    %get3A_26 = arith.constant 0 : index
    %get3A_27 = vector.load %arg6[%get3A_25, %get3A_26] : memref<128x256xf32, #tpu.memory_space<vmem>>, vector<128x256xf32>
    %dot_general3A_28 = arith.constant dense<0.000000e+00> : vector<1024x256xf32>
    %dot_general3A_29 = tpu.matmul %max3A_24, %get3A_27, %dot_general3A_28 {dimension_numbers = #tpu.dot_dimension_numbers<[1], [0], [0], [1], [0, 0, 1, 1], [], []>, transpose_lhs_hint = false} : vector<1024x128xf32>, vector<128x256xf32>, vector<1024x256xf32> -> vector<1024x256xf32>
    %get3A_30 = arith.constant 0 : index
    %get3A_31 = arith.constant 0 : index
    %get3A_32 = vector.load %arg7[%get3A_30, %get3A_31] : memref<1x256xf32, #tpu.memory_space<vmem>>, vector<1x256xf32>
    %add3A_33 = vector.broadcast %get3A_32 : vector<1x256xf32> to vector<1024x256xf32>
    %add3A_34 = arith.addf %dot_general3A_29, %add3A_33 : vector<1024x256xf32>
    %max3A_35 = arith.constant 0.000000e+00 : f32
    %max3A_36 = vector.broadcast %max3A_35 : f32 to vector<1024x256xf32>
    %max3A_37 = arith.maximumf %add3A_34, %max3A_36 : vector<1024x256xf32>
    %reshape3A = vector.shape_cast %max3A_37 : vector<1024x256xf32> to vector<16x64x256xf32>
    %reduce_max3A = arith.constant dense<0xFF800000> : vector<16x256xf32>
    %reduce_max3A_38 = vector.multi_reduction <maximumf>, %reshape3A, %reduce_max3A [1] : vector<16x64x256xf32> to vector<16x256xf32>
    %swap3A = arith.constant 0 : index
    %swap3A_39 = arith.constant 0 : index
    %swap3A_40 = vector.load %arg8[%swap3A, %swap3A_39] : memref<16x256xf32, #tpu.memory_space<vmem>>, vector<16x256xf32>
    tpu.vector_store %arg8[%swap3A, %swap3A_39], %reduce_max3A_38 {strides = array<i32>} : memref<16x256xf32, #tpu.memory_space<vmem>>, vector<16x256xf32>,
    return
  }
  func.func @transform_0(%arg0: i32) -> (i32, i32) {
    %c0_i32 = arith.constant 0 : i32
    %c0_i32_0 = arith.constant 0 : i32
    return %arg0, %c0_i32 : i32, i32
  }
  func.func @transform_1(%arg0: i32) -> (i32, i32) {
    %c0_i32 = arith.constant 0 : i32
    %c0_i32_0 = arith.constant 0 : i32
    %c0_i32_1 = arith.constant 0 : i32
    return %c0_i32, %c0_i32_0 : i32, i32
  }
  func.func @transform_2(%arg0: i32) -> (i32, i32) {
    %c0_i32 = arith.constant 0 : i32
    %c0_i32_0 = arith.constant 0 : i32
    %c0_i32_1 = arith.constant 0 : i32
    return %c0_i32, %c0_i32_0 : i32, i32
  }
  func.func @transform_3(%arg0: i32) -> (i32, i32) {
    %c0_i32 = arith.constant 0 : i32
    %c0_i32_0 = arith.constant 0 : i32
    %c0_i32_1 = arith.constant 0 : i32
    return %c0_i32, %c0_i32_0 : i32, i32
  }
  func.func @transform_4(%arg0: i32) -> (i32, i32) {
    %c0_i32 = arith.constant 0 : i32
    %c0_i32_0 = arith.constant 0 : i32
    %c0_i32_1 = arith.constant 0 : i32
    return %c0_i32, %c0_i32_0 : i32, i32
  }
  func.func @transform_5(%arg0: i32) -> (i32, i32) {
    %c0_i32 = arith.constant 0 : i32
    %c0_i32_0 = arith.constant 0 : i32
    %c0_i32_1 = arith.constant 0 : i32
    return %c0_i32, %c0_i32_0 : i32, i32
  }
  func.func @transform_6(%arg0: i32) -> (i32, i32) {
    %c0_i32 = arith.constant 0 : i32
    %c0_i32_0 = arith.constant 0 : i32
    %c0_i32_1 = arith.constant 0 : i32
    return %c0_i32, %c0_i32_0 : i32, i32
  }
  func.func @transform_7(%arg0: i32) -> (i32, i32) {
    %c0_i32 = arith.constant 0 : i32
    %c0_i32_0 = arith.constant 0 : i32
    return %arg0, %c0_i32 : i32, i32
  }
}

module attributes {stable_mosaic.version = 14 : i64} {
  func.func @_mlp_max_kern(%arg0: i32, %arg1: memref<512x323xf32, #tpu.memory_space<vmem>>, %arg2: memref<323x64xf32, #tpu.memory_space<vmem>>, %arg3: memref<1x64xf32, #tpu.memory_space<vmem>>, %arg4: memref<64x64xf32, #tpu.memory_space<vmem>>, %arg5: memref<1x64xf32, #tpu.memory_space<vmem>>, %arg6: memref<64x128xf32, #tpu.memory_space<vmem>>, %arg7: memref<1x128xf32, #tpu.memory_space<vmem>>, %arg8: memref<16x128xf32, #tpu.memory_space<vmem>>) attributes {dimension_semantics = [#tpu.dimension_semantics<arbitrary>], iteration_bounds = array<i64: 32>, scalar_prefetch = 0 : i64, scratch_operands = 0 : i64, tpu.core_type = #tpu.core_type<tc>, window_params = [{transform_indices = @transform_0, window_bounds = array<i64: 512, 323>}, {pipeline_mode = #tpu.pipeline_mode<synchronous>, transform_indices = @transform_1, window_bounds = array<i64: 323, 64>}, {pipeline_mode = #tpu.pipeline_mode<synchronous>, transform_indices = @transform_2, window_bounds = array<i64: 1, 64>}, {pipeline_mode = #tpu.pipeline_mode<synchronous>, transform_indices = @transform_3, window_bounds = array<i64: 64, 64>}, {pipeline_mode = #tpu.pipeline_mode<synchronous>, transform_indices = @transform_4, window_bounds = array<i64: 1, 64>}, {pipeline_mode = #tpu.pipeline_mode<synchronous>, transform_indices = @transform_5, window_bounds = array<i64: 64, 128>}, {pipeline_mode = #tpu.pipeline_mode<synchronous>, transform_indices = @transform_6, window_bounds = array<i64: 1, 128>}, {transform_indices = @transform_7, window_bounds = array<i64: 16, 128>}]} {
    %get3A = arith.constant 0 : index
    %get3A_0 = arith.constant 0 : index
    %get3A_1 = vector.load %arg1[%get3A, %get3A_0] : memref<512x323xf32, #tpu.memory_space<vmem>>, vector<512x323xf32>
    %get3A_2 = arith.constant 0 : index
    %get3A_3 = arith.constant 0 : index
    %get3A_4 = vector.load %arg2[%get3A_2, %get3A_3] : memref<323x64xf32, #tpu.memory_space<vmem>>, vector<323x64xf32>
    %dot_general3A = arith.constant dense<0.000000e+00> : vector<512x64xf32>
    %dot_general3A_5 = tpu.matmul %get3A_1, %get3A_4, %dot_general3A {dimension_numbers = #tpu.dot_dimension_numbers<[1], [0], [0], [1], [0, 0, 1, 1], [], []>, transpose_lhs_hint = false} : vector<512x323xf32>, vector<323x64xf32>, vector<512x64xf32> -> vector<512x64xf32>
    %get3A_6 = arith.constant 0 : index
    %get3A_7 = arith.constant 0 : index
    %get3A_8 = vector.load %arg3[%get3A_6, %get3A_7] : memref<1x64xf32, #tpu.memory_space<vmem>>, vector<1x64xf32>
    %add3A = vector.broadcast %get3A_8 : vector<1x64xf32> to vector<512x64xf32>
    %add3A_9 = arith.addf %dot_general3A_5, %add3A : vector<512x64xf32>
    %max3A = arith.constant 0.000000e+00 : f32
    %max3A_10 = vector.broadcast %max3A : f32 to vector<512x64xf32>
    %max3A_11 = arith.maximumf %add3A_9, %max3A_10 : vector<512x64xf32>
    %get3A_12 = arith.constant 0 : index
    %get3A_13 = arith.constant 0 : index
    %get3A_14 = vector.load %arg4[%get3A_12, %get3A_13] : memref<64x64xf32, #tpu.memory_space<vmem>>, vector<64x64xf32>
    %dot_general3A_15 = arith.constant dense<0.000000e+00> : vector<512x64xf32>
    %dot_general3A_16 = tpu.matmul %max3A_11, %get3A_14, %dot_general3A_15 {dimension_numbers = #tpu.dot_dimension_numbers<[1], [0], [0], [1], [0, 0, 1, 1], [], []>, transpose_lhs_hint = false} : vector<512x64xf32>, vector<64x64xf32>, vector<512x64xf32> -> vector<512x64xf32>
    %get3A_17 = arith.constant 0 : index
    %get3A_18 = arith.constant 0 : index
    %get3A_19 = vector.load %arg5[%get3A_17, %get3A_18] : memref<1x64xf32, #tpu.memory_space<vmem>>, vector<1x64xf32>
    %add3A_20 = vector.broadcast %get3A_19 : vector<1x64xf32> to vector<512x64xf32>
    %add3A_21 = arith.addf %dot_general3A_16, %add3A_20 : vector<512x64xf32>
    %max3A_22 = arith.constant 0.000000e+00 : f32
    %max3A_23 = vector.broadcast %max3A_22 : f32 to vector<512x64xf32>
    %max3A_24 = arith.maximumf %add3A_21, %max3A_23 : vector<512x64xf32>
    %get3A_25 = arith.constant 0 : index
    %get3A_26 = arith.constant 0 : index
    %get3A_27 = vector.load %arg6[%get3A_25, %get3A_26] : memref<64x128xf32, #tpu.memory_space<vmem>>, vector<64x128xf32>
    %dot_general3A_28 = arith.constant dense<0.000000e+00> : vector<512x128xf32>
    %dot_general3A_29 = tpu.matmul %max3A_24, %get3A_27, %dot_general3A_28 {dimension_numbers = #tpu.dot_dimension_numbers<[1], [0], [0], [1], [0, 0, 1, 1], [], []>, transpose_lhs_hint = false} : vector<512x64xf32>, vector<64x128xf32>, vector<512x128xf32> -> vector<512x128xf32>
    %get3A_30 = arith.constant 0 : index
    %get3A_31 = arith.constant 0 : index
    %get3A_32 = vector.load %arg7[%get3A_30, %get3A_31] : memref<1x128xf32, #tpu.memory_space<vmem>>, vector<1x128xf32>
    %add3A_33 = vector.broadcast %get3A_32 : vector<1x128xf32> to vector<512x128xf32>
    %add3A_34 = arith.addf %dot_general3A_29, %add3A_33 : vector<512x128xf32>
    %max3A_35 = arith.constant 0.000000e+00 : f32
    %max3A_36 = vector.broadcast %max3A_35 : f32 to vector<512x128xf32>
    %max3A_37 = arith.maximumf %add3A_34, %max3A_36 : vector<512x128xf32>
    %reshape3A = vector.shape_cast %max3A_37 : vector<512x128xf32> to vector<16x32x128xf32>
    %reduce_max3A = arith.constant dense<0xFF800000> : vector<16x128xf32>
    %reduce_max3A_38 = vector.multi_reduction <maximumf>, %reshape3A, %reduce_max3A [1] : vector<16x32x128xf32> to vector<16x128xf32>
    %swap3A = arith.constant 0 : index
    %swap3A_39 = arith.constant 0 : index
    %swap3A_40 = vector.load %arg8[%swap3A, %swap3A_39] : memref<16x128xf32, #tpu.memory_space<vmem>>, vector<16x128xf32>
    tpu.vector_store %arg8[%swap3A, %swap3A_39], %reduce_max3A_38 {strides = array<i32>} : memref<16x128xf32, #tpu.memory_space<vmem>>, vector<16x128xf32>,
    return
  }
  func.func @transform_0(%arg0: i32) -> (i32, i32) {
    %c0_i32 = arith.constant 0 : i32
    %c0_i32_0 = arith.constant 0 : i32
    return %arg0, %c0_i32 : i32, i32
  }
  func.func @transform_1(%arg0: i32) -> (i32, i32) {
    %c0_i32 = arith.constant 0 : i32
    %c0_i32_0 = arith.constant 0 : i32
    %c0_i32_1 = arith.constant 0 : i32
    return %c0_i32, %c0_i32_0 : i32, i32
  }
  func.func @transform_2(%arg0: i32) -> (i32, i32) {
    %c0_i32 = arith.constant 0 : i32
    %c0_i32_0 = arith.constant 0 : i32
    %c0_i32_1 = arith.constant 0 : i32
    return %c0_i32, %c0_i32_0 : i32, i32
  }
  func.func @transform_3(%arg0: i32) -> (i32, i32) {
    %c0_i32 = arith.constant 0 : i32
    %c0_i32_0 = arith.constant 0 : i32
    %c0_i32_1 = arith.constant 0 : i32
    return %c0_i32, %c0_i32_0 : i32, i32
  }
  func.func @transform_4(%arg0: i32) -> (i32, i32) {
    %c0_i32 = arith.constant 0 : i32
    %c0_i32_0 = arith.constant 0 : i32
    %c0_i32_1 = arith.constant 0 : i32
    return %c0_i32, %c0_i32_0 : i32, i32
  }
  func.func @transform_5(%arg0: i32) -> (i32, i32) {
    %c0_i32 = arith.constant 0 : i32
    %c0_i32_0 = arith.constant 0 : i32
    %c0_i32_1 = arith.constant 0 : i32
    return %c0_i32, %c0_i32_0 : i32, i32
  }
  func.func @transform_6(%arg0: i32) -> (i32, i32) {
    %c0_i32 = arith.constant 0 : i32
    %c0_i32_0 = arith.constant 0 : i32
    %c0_i32_1 = arith.constant 0 : i32
    return %c0_i32, %c0_i32_0 : i32, i32
  }
  func.func @transform_7(%arg0: i32) -> (i32, i32) {
    %c0_i32 = arith.constant 0 : i32
    %c0_i32_0 = arith.constant 0 : i32
    return %arg0, %c0_i32 : i32, i32
  }
}

module attributes {stable_mosaic.version = 14 : i64} {
  func.func @_mlp_max_kern(%arg0: i32, %arg1: memref<512x643xf32, #tpu.memory_space<vmem>>, %arg2: memref<643x256xf32, #tpu.memory_space<vmem>>, %arg3: memref<1x256xf32, #tpu.memory_space<vmem>>, %arg4: memref<256x512xf32, #tpu.memory_space<vmem>>, %arg5: memref<1x512xf32, #tpu.memory_space<vmem>>, %arg6: memref<512x1024xf32, #tpu.memory_space<vmem>>, %arg7: memref<1x1024xf32, #tpu.memory_space<vmem>>, %arg8: memref<4x1024xf32, #tpu.memory_space<vmem>>) attributes {dimension_semantics = [#tpu.dimension_semantics<arbitrary>], iteration_bounds = array<i64: 1>, scalar_prefetch = 0 : i64, scratch_operands = 0 : i64, tpu.core_type = #tpu.core_type<tc>, window_params = [{transform_indices = @transform_0, window_bounds = array<i64: 512, 643>}, {pipeline_mode = #tpu.pipeline_mode<synchronous>, transform_indices = @transform_1, window_bounds = array<i64: 643, 256>}, {pipeline_mode = #tpu.pipeline_mode<synchronous>, transform_indices = @transform_2, window_bounds = array<i64: 1, 256>}, {pipeline_mode = #tpu.pipeline_mode<synchronous>, transform_indices = @transform_3, window_bounds = array<i64: 256, 512>}, {pipeline_mode = #tpu.pipeline_mode<synchronous>, transform_indices = @transform_4, window_bounds = array<i64: 1, 512>}, {pipeline_mode = #tpu.pipeline_mode<synchronous>, transform_indices = @transform_5, window_bounds = array<i64: 512, 1024>}, {pipeline_mode = #tpu.pipeline_mode<synchronous>, transform_indices = @transform_6, window_bounds = array<i64: 1, 1024>}, {transform_indices = @transform_7, window_bounds = array<i64: 4, 1024>}]} {
    %get3A = arith.constant 0 : index
    %get3A_0 = arith.constant 0 : index
    %get3A_1 = vector.load %arg1[%get3A, %get3A_0] : memref<512x643xf32, #tpu.memory_space<vmem>>, vector<512x643xf32>
    %get3A_2 = arith.constant 0 : index
    %get3A_3 = arith.constant 0 : index
    %get3A_4 = vector.load %arg2[%get3A_2, %get3A_3] : memref<643x256xf32, #tpu.memory_space<vmem>>, vector<643x256xf32>
    %dot_general3A = arith.constant dense<0.000000e+00> : vector<512x256xf32>
    %dot_general3A_5 = tpu.matmul %get3A_1, %get3A_4, %dot_general3A {dimension_numbers = #tpu.dot_dimension_numbers<[1], [0], [0], [1], [0, 0, 1, 1], [], []>, transpose_lhs_hint = false} : vector<512x643xf32>, vector<643x256xf32>, vector<512x256xf32> -> vector<512x256xf32>
    %get3A_6 = arith.constant 0 : index
    %get3A_7 = arith.constant 0 : index
    %get3A_8 = vector.load %arg3[%get3A_6, %get3A_7] : memref<1x256xf32, #tpu.memory_space<vmem>>, vector<1x256xf32>
    %add3A = vector.broadcast %get3A_8 : vector<1x256xf32> to vector<512x256xf32>
    %add3A_9 = arith.addf %dot_general3A_5, %add3A : vector<512x256xf32>
    %max3A = arith.constant 0.000000e+00 : f32
    %max3A_10 = vector.broadcast %max3A : f32 to vector<512x256xf32>
    %max3A_11 = arith.maximumf %add3A_9, %max3A_10 : vector<512x256xf32>
    %get3A_12 = arith.constant 0 : index
    %get3A_13 = arith.constant 0 : index
    %get3A_14 = vector.load %arg4[%get3A_12, %get3A_13] : memref<256x512xf32, #tpu.memory_space<vmem>>, vector<256x512xf32>
    %dot_general3A_15 = arith.constant dense<0.000000e+00> : vector<512x512xf32>
    %dot_general3A_16 = tpu.matmul %max3A_11, %get3A_14, %dot_general3A_15 {dimension_numbers = #tpu.dot_dimension_numbers<[1], [0], [0], [1], [0, 0, 1, 1], [], []>, transpose_lhs_hint = false} : vector<512x256xf32>, vector<256x512xf32>, vector<512x512xf32> -> vector<512x512xf32>
    %get3A_17 = arith.constant 0 : index
    %get3A_18 = arith.constant 0 : index
    %get3A_19 = vector.load %arg5[%get3A_17, %get3A_18] : memref<1x512xf32, #tpu.memory_space<vmem>>, vector<1x512xf32>
    %add3A_20 = vector.broadcast %get3A_19 : vector<1x512xf32> to vector<512x512xf32>
    %add3A_21 = arith.addf %dot_general3A_16, %add3A_20 : vector<512x512xf32>
    %max3A_22 = arith.constant 0.000000e+00 : f32
    %max3A_23 = vector.broadcast %max3A_22 : f32 to vector<512x512xf32>
    %max3A_24 = arith.maximumf %add3A_21, %max3A_23 : vector<512x512xf32>
    %get3A_25 = arith.constant 0 : index
    %get3A_26 = arith.constant 0 : index
    %get3A_27 = vector.load %arg6[%get3A_25, %get3A_26] : memref<512x1024xf32, #tpu.memory_space<vmem>>, vector<512x1024xf32>
    %dot_general3A_28 = arith.constant dense<0.000000e+00> : vector<512x1024xf32>
    %dot_general3A_29 = tpu.matmul %max3A_24, %get3A_27, %dot_general3A_28 {dimension_numbers = #tpu.dot_dimension_numbers<[1], [0], [0], [1], [0, 0, 1, 1], [], []>, transpose_lhs_hint = false} : vector<512x512xf32>, vector<512x1024xf32>, vector<512x1024xf32> -> vector<512x1024xf32>
    %get3A_30 = arith.constant 0 : index
    %get3A_31 = arith.constant 0 : index
    %get3A_32 = vector.load %arg7[%get3A_30, %get3A_31] : memref<1x1024xf32, #tpu.memory_space<vmem>>, vector<1x1024xf32>
    %add3A_33 = vector.broadcast %get3A_32 : vector<1x1024xf32> to vector<512x1024xf32>
    %add3A_34 = arith.addf %dot_general3A_29, %add3A_33 : vector<512x1024xf32>
    %max3A_35 = arith.constant 0.000000e+00 : f32
    %max3A_36 = vector.broadcast %max3A_35 : f32 to vector<512x1024xf32>
    %max3A_37 = arith.maximumf %add3A_34, %max3A_36 : vector<512x1024xf32>
    %reshape3A = vector.shape_cast %max3A_37 : vector<512x1024xf32> to vector<4x128x1024xf32>
    %reduce_max3A = arith.constant dense<0xFF800000> : vector<4x1024xf32>
    %reduce_max3A_38 = vector.multi_reduction <maximumf>, %reshape3A, %reduce_max3A [1] : vector<4x128x1024xf32> to vector<4x1024xf32>
    %swap3A = arith.constant 0 : index
    %swap3A_39 = arith.constant 0 : index
    %swap3A_40 = vector.load %arg8[%swap3A, %swap3A_39] : memref<4x1024xf32, #tpu.memory_space<vmem>>, vector<4x1024xf32>
    tpu.vector_store %arg8[%swap3A, %swap3A_39], %reduce_max3A_38 {strides = array<i32>} : memref<4x1024xf32, #tpu.memory_space<vmem>>, vector<4x1024xf32>,
    return
  }
  func.func @transform_0(%arg0: i32) -> (i32, i32) {
    %c0_i32 = arith.constant 0 : i32
    %c0_i32_0 = arith.constant 0 : i32
    return %arg0, %c0_i32 : i32, i32
  }
  func.func @transform_1(%arg0: i32) -> (i32, i32) {
    %c0_i32 = arith.constant 0 : i32
    %c0_i32_0 = arith.constant 0 : i32
    %c0_i32_1 = arith.constant 0 : i32
    return %c0_i32, %c0_i32_0 : i32, i32
  }
  func.func @transform_2(%arg0: i32) -> (i32, i32) {
    %c0_i32 = arith.constant 0 : i32
    %c0_i32_0 = arith.constant 0 : i32
    %c0_i32_1 = arith.constant 0 : i32
    return %c0_i32, %c0_i32_0 : i32, i32
  }
  func.func @transform_3(%arg0: i32) -> (i32, i32) {
    %c0_i32 = arith.constant 0 : i32
    %c0_i32_0 = arith.constant 0 : i32
    %c0_i32_1 = arith.constant 0 : i32
    return %c0_i32, %c0_i32_0 : i32, i32
  }
  func.func @transform_4(%arg0: i32) -> (i32, i32) {
    %c0_i32 = arith.constant 0 : i32
    %c0_i32_0 = arith.constant 0 : i32
    %c0_i32_1 = arith.constant 0 : i32
    return %c0_i32, %c0_i32_0 : i32, i32
  }
  func.func @transform_5(%arg0: i32) -> (i32, i32) {
    %c0_i32 = arith.constant 0 : i32
    %c0_i32_0 = arith.constant 0 : i32
    %c0_i32_1 = arith.constant 0 : i32
    return %c0_i32, %c0_i32_0 : i32, i32
  }
  func.func @transform_6(%arg0: i32) -> (i32, i32) {
    %c0_i32 = arith.constant 0 : i32
    %c0_i32_0 = arith.constant 0 : i32
    %c0_i32_1 = arith.constant 0 : i32
    return %c0_i32, %c0_i32_0 : i32, i32
  }
  func.func @transform_7(%arg0: i32) -> (i32, i32) {
    %c0_i32 = arith.constant 0 : i32
    %c0_i32_0 = arith.constant 0 : i32
    return %arg0, %c0_i32 : i32, i32
  }
}

module attributes {stable_mosaic.version = 14 : i64} {
  func.func @_head_kern(%arg0: memref<4x1024xf32, #tpu.memory_space<vmem>>, %arg1: memref<1024x512xf32, #tpu.memory_space<vmem>>, %arg2: memref<1x512xf32, #tpu.memory_space<vmem>>, %arg3: memref<512x256xf32, #tpu.memory_space<vmem>>, %arg4: memref<1x256xf32, #tpu.memory_space<vmem>>, %arg5: memref<256x40xf32, #tpu.memory_space<vmem>>, %arg6: memref<1x40xf32, #tpu.memory_space<vmem>>, %arg7: memref<4x40xf32, #tpu.memory_space<vmem>>) attributes {dimension_semantics = [], scalar_prefetch = 0 : i64, scratch_operands = 0 : i64, tpu.core_type = #tpu.core_type<tc>} {
    %get3A = arith.constant 0 : index
    %get3A_0 = arith.constant 0 : index
    %get3A_1 = vector.load %arg0[%get3A, %get3A_0] : memref<4x1024xf32, #tpu.memory_space<vmem>>, vector<4x1024xf32>
    %get3A_2 = arith.constant 0 : index
    %get3A_3 = arith.constant 0 : index
    %get3A_4 = vector.load %arg1[%get3A_2, %get3A_3] : memref<1024x512xf32, #tpu.memory_space<vmem>>, vector<1024x512xf32>
    %dot_general3A = arith.constant dense<0.000000e+00> : vector<4x512xf32>
    %dot_general3A_5 = tpu.matmul %get3A_1, %get3A_4, %dot_general3A {dimension_numbers = #tpu.dot_dimension_numbers<[1], [0], [0], [1], [0, 0, 1, 1], [], []>, transpose_lhs_hint = false} : vector<4x1024xf32>, vector<1024x512xf32>, vector<4x512xf32> -> vector<4x512xf32>
    %get3A_6 = arith.constant 0 : index
    %get3A_7 = arith.constant 0 : index
    %get3A_8 = vector.load %arg2[%get3A_6, %get3A_7] : memref<1x512xf32, #tpu.memory_space<vmem>>, vector<1x512xf32>
    %add3A = vector.broadcast %get3A_8 : vector<1x512xf32> to vector<4x512xf32>
    %add3A_9 = arith.addf %dot_general3A_5, %add3A : vector<4x512xf32>
    %max3A = arith.constant 0.000000e+00 : f32
    %max3A_10 = vector.broadcast %max3A : f32 to vector<4x512xf32>
    %max3A_11 = arith.maximumf %add3A_9, %max3A_10 : vector<4x512xf32>
    %get3A_12 = arith.constant 0 : index
    %get3A_13 = arith.constant 0 : index
    %get3A_14 = vector.load %arg3[%get3A_12, %get3A_13] : memref<512x256xf32, #tpu.memory_space<vmem>>, vector<512x256xf32>
    %dot_general3A_15 = arith.constant dense<0.000000e+00> : vector<4x256xf32>
    %dot_general3A_16 = tpu.matmul %max3A_11, %get3A_14, %dot_general3A_15 {dimension_numbers = #tpu.dot_dimension_numbers<[1], [0], [0], [1], [0, 0, 1, 1], [], []>, transpose_lhs_hint = false} : vector<4x512xf32>, vector<512x256xf32>, vector<4x256xf32> -> vector<4x256xf32>
    %get3A_17 = arith.constant 0 : index
    %get3A_18 = arith.constant 0 : index
    %get3A_19 = vector.load %arg4[%get3A_17, %get3A_18] : memref<1x256xf32, #tpu.memory_space<vmem>>, vector<1x256xf32>
    %add3A_20 = vector.broadcast %get3A_19 : vector<1x256xf32> to vector<4x256xf32>
    %add3A_21 = arith.addf %dot_general3A_16, %add3A_20 : vector<4x256xf32>
    %max3A_22 = arith.constant 0.000000e+00 : f32
    %max3A_23 = vector.broadcast %max3A_22 : f32 to vector<4x256xf32>
    %max3A_24 = arith.maximumf %add3A_21, %max3A_23 : vector<4x256xf32>
    %get3A_25 = arith.constant 0 : index
    %get3A_26 = arith.constant 0 : index
    %get3A_27 = vector.load %arg5[%get3A_25, %get3A_26] : memref<256x40xf32, #tpu.memory_space<vmem>>, vector<256x40xf32>
    %dot_general3A_28 = arith.constant dense<0.000000e+00> : vector<4x40xf32>
    %dot_general3A_29 = tpu.matmul %max3A_24, %get3A_27, %dot_general3A_28 {dimension_numbers = #tpu.dot_dimension_numbers<[1], [0], [0], [1], [0, 0, 1, 1], [], []>, transpose_lhs_hint = false} : vector<4x256xf32>, vector<256x40xf32>, vector<4x40xf32> -> vector<4x40xf32>
    %get3A_30 = arith.constant 0 : index
    %get3A_31 = arith.constant 0 : index
    %get3A_32 = vector.load %arg6[%get3A_30, %get3A_31] : memref<1x40xf32, #tpu.memory_space<vmem>>, vector<1x40xf32>
    %add3A_33 = vector.broadcast %get3A_32 : vector<1x40xf32> to vector<4x40xf32>
    %add3A_34 = arith.addf %dot_general3A_29, %add3A_33 : vector<4x40xf32>
    %swap3A = arith.constant 0 : index
    %swap3A_35 = arith.constant 0 : index
    %swap3A_36 = vector.load %arg7[%swap3A, %swap3A_35] : memref<4x40xf32, #tpu.memory_space<vmem>>, vector<4x40xf32>
    tpu.vector_store %arg7[%swap3A, %swap3A_35], %add3A_34 {strides = array<i32>} : memref<4x40xf32, #tpu.memory_space<vmem>>, vector<4x40xf32>,
    return
  }
}

</mosaic_0001>

<sc_bundles>
// kernel: gather_offload_async_start
scs
__scs_entry_jumppad:
0x0: {  	(pc) =	sbr.rel $0x88, $3  }
0x1: {  	(tag) =	ssettag $0x0;
	lr =	simm.s32 $0x1  }
0x2: {  	[smem:$0x3F42] =	sst lr;
	_ =	strace $0xD0000000  }
0x3: {  	_ = 	snop  }
0x4: {  	_ = 	snop  }
0x5: {  	_ = 	snop  }
0x6: {  	_ = 	snop  }
0x7: {  	_ = 	snop  }
__scs_overlays_trampoline_lowered:
0x8: {  	[smem:$0x3F51] =	sst s0  }
0x9: {  	[smem:$0x3F52] =	sst s1  }
0xa: {  	[smem:$0x3F53] =	sst s2  }
0xb: {  	[smem:$0x3F54] =	sst s3  }
0xc: {  	[smem:$0x3F55] =	sst s4  }
0xd: {  	[smem:$0x3F56] =	sst s5  }
0xe: {  	[smem:$0x3F57] =	sst s6  }
0xf: {  	[smem:$0x3F58] =	sst s7  }
0x10: {  	[smem:$0x3F59] =	sst s8  }
0x11: {  	[smem:$0x3F5A] =	sst s9;
	s0 =	simm.s32 @!p0 $0x0  }
0x12: {  	s1 =	sld [smem:$0x3F40];
	s0 =	simm.s32 @p0 $0x1  }
0x13: {  	[smem:$0x3F5B] =	sst s0;
	s0 =	simm.s32 @!p1 $0x0  }
0x14: {  	s2 =	sld [smem:$0x3F3F];
	s0 =	simm.s32 @p1 $0x1  }
0x15: {  	[smem:$0x3F5C] =	sst s0;
	s0 =	simm.s32 @!p2 $0x0  }
0x16: {  	s3 =	sld [smem:$0x3FDB];
	s0 =	simm.s32 @p2 $0x1  }
0x17: {  	s4 =	simm.s32 $0x1BF5;
	[smem:$0x3F5E] =	sst s0  }
0x18: {  	s0 =	sld [smem:$0x3F41];
	_ =	swait.ge [sflag:s4], $0x0  }
0x19: {  	s7 =	sld [smem:$0x3F42]  }
0x1a: {  	s8 =	sadd.s32 $0xFFFFE003, lr  }
0x1b: {  	s9 =	sadd.s32 $0xFFFFFEF7, lr;
	s5 =	simm.s32 $0xFFFFFFFF;
	p2 =	slt.u32 s8, $0xFFFFF086  }
0x1c: {  	p1 =	slt.u32 s9, $0xF7A;
	s5 =	simm.s32 @!p2 $0x0  }
0x1d: {  	s5 =	simm.s32 @p1 $0x1;
	p0 =	seq.s32 s7, s2  }
0x1e: {  	s7 =	smul.u32 @!p0 $0xF7A, s2;
	p2 =	seq.s32 @!p0 s5, $0x0  }
0x1f: {  	s9 =	smul.u32 $0xF7A, s1;
	s8 =	simm.s32 @!p0 $0x1BF5;
	p2 =	por !p2, p0  }
0x20: {  	[sflag:s8] =	ssyncset.s32 @!p0 $0xFFFFF086;
	s6 =	sadd.s32 @!p0 s3, s7;
	s7 =	simm.s32 @!p0 $0x108  }
0x21: {  	s3 =	sadd.s32 s3, s9;
	s6 =	sadd.s32 @!p0 $0x88, s6;
	s7 =	simm.s32 @p2 $0x1082  }
0x22: {  	[simem:s7], [sflag:s8] =	dma.local @!p0 [hbm:s6], $0xF7A  }
0x23: {  	s9 =	sor.u32 $0xD0000000, s2;
	s6 =	simm.s32 $0x108;
	_ =	swait.ge @!p0 [sflag:s8], $0x0  }
0x24: {  	s3 =	sadd.s32 $0x88, s3;
	s6 =	simm.s32 @!p1 $0x1082;
	[sflag:s4] =	ssyncset.s32 $0xFFFFF086  }
0x25: {  	[simem:s6], [sflag:s4] =	dma.local [hbm:s3], $0xF7A  }
0x26: {  	[smem:$0x3F42] =	sst s1;
	(tag) =	ssettag s2;
	_ =	strace s9  }
0x27: {  	s1 =	sld [smem:$0x3F52]  }
0x28: {  	s2 =	sld [smem:$0x3F53]  }
0x29: {  	s4 =	sld [smem:$0x3F55]  }
0x2a: {  	p0 =	seq.s32 s5, $0x0;
	s5 =	sld [smem:$0x3F56]  }
0x2b: {  	s6 =	sld [smem:$0x3F57]  }
0x2c: {  	s7 =	sld [smem:$0x3F58]  }
0x2d: {  	s3 =	simm.s32 $0x108;
	s8 =	sld [smem:$0x3F59]  }
0x2e: {  	s3 =	simm.s32 @!p0 $0x1082;
	s9 =	sld [smem:$0x3F5A]  }
0x2f: {  	lr =	sadd.s32 s0, s3;
	s0 =	sld [smem:$0x3F51]  }
0x30: {  	s3 =	sld [smem:$0x3F54]  }
0x31: {  	[smem:$0x3F5D] =	sst s10  }
0x32: {  	s10 =	sld [smem:$0x3F5B];
	_ =	sdelay $0x3  }
0x33: {  	p0 =	seq.s32 s10, $0x1;
	s10 =	sld [smem:$0x3F5D];
	_ =	sdelay $0x3  }
0x34: {  	[smem:$0x3F5D] =	sst s10  }
0x35: {  	s10 =	sld [smem:$0x3F5C];
	_ =	sdelay $0x3  }
0x36: {  	p1 =	seq.s32 s10, $0x1;
	s10 =	sld [smem:$0x3F5D];
	_ =	sdelay $0x3  }
0x37: {  	[smem:$0x3F5D] =	sst s10  }
0x38: {  	s10 =	sld [smem:$0x3F5E]  }
0x39: {  	_ = 	snop;
	(pc) =	sbr.ind lr, $3  }
0x3a: {  	_ = 	snop  }
0x3b: {  	_ = 	snop  }
0x3c: {  	p2 =	seq.s32 s10, $0x1;
	s10 =	sld [smem:$0x3F5D]  }
0x3d: {  	_ =	shalt  }
0x3e: {  	_ =	shalt  }
0x3f: {  	_ =	shalt  }
0x40: {  	_ =	shalt  }
0x41: {  	_ =	shalt  }
0x42: {  	_ =	shalt  }
0x43: {  	_ =	shalt  }
0x44: {  	_ =	shalt  }
0x45: {  	_ =	shalt  }
0x46: {  	_ =	shalt  }
0x47: {  	_ =	shalt  }
0x48: {  	_ =	shalt  }
0x49: {  	_ =	shalt  }
0x4a: {  	_ =	shalt  }
0x4b: {  	_ =	shalt  }
0x4c: {  	_ =	shalt  }
0x4d: {  	_ =	shalt  }
0x4e: {  	_ =	shalt  }
0x4f: {  	_ =	shalt  }
0x50: {  	_ =	shalt  }
0x51: {  	_ =	shalt  }
0x52: {  	_ =	shalt  }
0x53: {  	_ =	shalt  }
0x54: {  	_ =	shalt  }
0x55: {  	_ =	shalt  }
0x56: {  	_ =	shalt  }
0x57: {  	_ =	shalt  }
0x58: {  	_ =	shalt  }
0x59: {  	_ =	shalt  }
0x5a: {  	_ =	shalt  }
0x5b: {  	_ =	shalt  }
0x5c: {  	_ =	shalt  }
0x5d: {  	_ =	shalt  }
0x5e: {  	_ =	shalt  }
0x5f: {  	_ =	shalt  }
0x60: {  	_ =	shalt  }
0x61: {  	_ =	shalt  }
0x62: {  	_ =	shalt  }
0x63: {  	_ =	shalt  }
0x64: {  	_ =	shalt  }
0x65: {  	_ =	shalt  }
0x66: {  	_ =	shalt  }
0x67: {  	_ =	shalt  }
0x68: {  	_ =	shalt  }
0x69: {  	_ =	shalt  }
0x6a: {  	_ =	shalt  }
0x6b: {  	_ =	shalt  }
0x6c: {  	_ =	shalt  }
0x6d: {  	_ =	shalt  }
0x6e: {  	_ =	shalt  }
0x6f: {  	_ =	shalt  }
0x70: {  	_ =	shalt  }
0x71: {  	_ =	shalt  }
0x72: {  	_ =	shalt  }
0x73: {  	_ =	shalt  }
0x74: {  	_ =	shalt  }
0x75: {  	_ =	shalt  }
0x76: {  	_ =	shalt  }
0x77: {  	_ =	shalt  }
0x78: {  	_ =	shalt  }
0x79: {  	_ =	shalt  }
0x7a: {  	_ =	shalt  }
0x7b: {  	_ =	shalt  }
0x7c: {  	_ =	shalt  }
0x7d: {  	_ =	shalt  }
0x7e: {  	_ =	shalt  }
0x7f: {  	_ =	shalt  }
0x80: {  	_ =	shalt  }
0x81: {  	_ =	shalt  }
0x82: {  	_ =	shalt  }
0x83: {  	_ =	shalt  }
0x84: {  	_ =	shalt  }
0x85: {  	_ =	shalt  }
0x86: {  	_ =	shalt  }
0x87: {  	_ =	shalt  }
.Lfunc_end0:
.L_simem_size_0:
called_computation_lowered:
.L_overlay_start_0:
0x88: {  	s2 =	sld [smem:$0x3FD9]  }
0x89: {  	s3 =	sld [smem:$0x3FFE];
	_ =	sdelay $0x1  }
0x8a: {  	s1 =	srdreg.scid  }
0x8b: {  	s0 =	sand.u32 $0x1, s1  }
0x8c: {  	s16 =	sshll.u32 s0, $0xA;
	s2 =	sadd.s32 s3, s2  }
0x8d: {  	s2 =	sadd.s32 s2, s16  }
0x8e: {  	[smem:$0x3F69] =	sst s2  }
0x8f: {  	_ = 	snop  }
0x90: {  	(tm) =	ssettm $0x1  }
0x91: {  	s17 =	sld [smem:$0x3FFB];
	_ =	sdelay $0x3  }
0x92: {  	_ =	strace s17  }
0x93: {  	s2 =	sld [smem:$0x3FFC];
	_ =	sdelay $0x3  }
0x94: {  	_ =	strace s2  }
0x95: {  	s2 =	sld [smem:$0x3FFD];
	_ =	sdelay $0x3  }
0x96: {  	_ =	strace s2  }
0x97: {  	_ =	strace $0x8FFFFFFF  }
0x98: {  	s18 =	sld [smem:$0x3FDB];
	_ =	sdelay $0x1  }
0x99: {  	s19 =	simm.s32 $_scs_section_size  }
0x9a: {  	s4 =	simm.s32 $_size__tile_overlayer_lowered;
	s5 =	simm.s32 $_tile_overlayer_lowered  }
0x9b: {  	s22 =	simm.s32 $0x1BFF;
	s21 =	sshll.u32 s5, $0x1;
	s2 =	sadd.s32 s19, s18  }
0x9c: {  	s6 =	simm.s32 $0x0;
	s20 =	sshll.u32 s4, $0x1;
	s4 =	sadd.s32 s21, s2  }
0x9d: {  	[timem:s6], [sflag:s22] =	dma.local [hbm:s4], s20  }
0x9e: {  	_ =	swait.ge [sflag:s22], s20  }
0x9f: {  	s3 =	ssub.s32 $0x0, s20;
	[sflag:s22] =	ssyncset.done $0x0  }
0xa0: {  	[sflag:s22] =	ssyncadd.s32 s3;
	_ =	sdelay $0x1  }
0xa1: {  	s23 =	simm.s32 $0x1B8B  }
0xa2: {  	_ =	swait.ge [sflag:s23], $0x1  }
0xa3: {  	[sflag:s23] =	ssyncset.done $0x0  }
0xa4: {  	s25 =	simm.s32 $0x1B8E;
	s24 =	sld [smem:$0x3FFE];
	[sflag:s23] =	ssyncadd.s32 $0xFFFFFFFF  }
0xa5: {  	s26 =	simm.s32 $execute0_lowered;
	[smem:$0x3FD2] =	sst s25  }
0xa6: {  	s4 =	sshll.u32 s26, $0x1;
	_ =	strace $0x80000046;
	[dreg:$0x1] =	wrdreg $0xFFFFFFFF  }
0xa7: {  	s28 =	simm.s32 $_size_execute0_lowered;
	s2 =	sadd.s32 s2, s4;
	[dreg:$0x0] =	wrdreg $0x0  }
0xa8: {  	s4 =	sshll.u32 s28, $0x1;
	[dreg:$0x2] =	wrdreg s2  }
0xa9: {  	[dreg:$0x3] =	wrdreg s4  }
0xaa: {  	[dreg:$0x4] =	wrdreg $0xC0  }
0xab: {  	_ =	task [dreg:s6], $0x5FFFF  }
0xac: {  	[dreg:$0x1] =	wrdreg $0xFFFFFFFF  }
0xad: {  	[dreg:$0x0] =	wrdreg $0x60  }
0xae: {  	[dreg:$0x2] =	wrdreg s24  }
0xaf: {  	[dreg:$0x3] =	wrdreg $0x9  }
0xb0: {  	_ =	task.clear_ibuf [dreg:s6], $0x4FFFF;
	_ =	strace $0x90000046  }
0xb1: {  	s29 =	simm.s32 $0x9;
	_ =	strace $0x80000048  }
0xb2: {  	_ =	swait.ge [sflag:s29], $0x1  }
0xb3: {  	[sflag:s29] =	ssyncadd.s32 $0xFFFFFFFF  }
0xb4: {  	_ =	strace $0x90000048  }
0xb5: {  	_ =	sfence  }
0xb6: {  	s30 =	sld [smem:$0x0];
	_ =	sdelay $0x2  }
0xb7: {  	s31 =	sshll.u32 s1, $0xD;
	s1 =	sshrl.u32 s1, $0x2  }
0xb8: {  	s3 =	sand.u32 $0x4000, s31;
	s1 =	sadd.s32 s1, s30  }
0xb9: {  	s0 =	sor.u32 s3, s0;
	s1 =	sshll.u32 s1, $0x11  }
0xba: {  	s0 =	sor.u32 s1, s0  }
0xbb: {  	s0 =	sadd.s32 $0x8F2B, s0  }
0xbc: {  	[sflag:s0] =	ssyncadd.remote.s32 $0x1  }
0xbd: {  	_ =	sfence.sel $0xFFFF  }
0xbe: {  	[dreg:$0x0] =	wrdreg $0xFFFFFFFF;
	(pc) =	sbr.abs _section_cstart, $3  }
0xbf: {  	[dreg:$0x1] =	wrdreg $0xFFFFFFFF  }
0xc0: {  	_ =	task.clear_ibuf [dreg:s6], $0x2FFFF;
	_ =	strace $0x9FFFFFFF  }
0xc1: {  	(tm) =	ssettm $0x7FFFFFFF  }
tec
execute0_lowered:
.L_overlay_start_1:
0x0: {  	(tag) =	ssettag $0x1  }
0x1: {  	s7 =	rddreg [dreg:$0x0]  }
0x2: {  	s0 =	rddreg [dreg:$0x1];
	_ =	strace $0x80000047  }
0x3: {  	s1 =	srdreg.scid;
	s4 =	simm.s32 $0x1;
	s9 =	simm.s32 $0x3  }
0x4: {  	s12 =	simm.s32 $0x0;
	s10 =	simm.s32 $0x0;
	s5 =	sshll.u32 s1, $0x4  }
.Ltmp0:
0x5: {  	s1 =	stileid.u32;
	s5 =	sand.u32 $0x10, s5;
	(pc) =	sbr.rel .LBB2_1-.Ltmp0, $4  }
0x6: {  	s2 =	sadd.s32 $0xFA00, s7;
	s3 =	sadd.s32 $0x4FA00, s7;
	s6 =	sor.u32 s1, s5  }
0x7: {  	[sflag:s4] =	ssyncpa.u1 $0x0;
	s5 =	simm.s32 $0x2;
	s6 =	sshll.u32 s6, $0x6  }
0x8: {  	s7 =	sadd.s32 $0x88E00, s7;
	[sflag:s5] =	ssyncpa.u1 $0x0;
	s8 =	sadd.s32 $0x40, s6  }
0x9: {  	vm0 =	vmmov $0xff;
	vm1 =	vcmask $0x3F20;
	[sflag:s9] =	ssyncpa.u1 $0x0;
	s9 =	simm.s32 $0x40;
	s11 =	smov.u32 s6  }
.LBB2_9:
0xa: {  	p0 =	seq.s32 s10, $0x2  }
.Ltmp1:
0xb: {  	_ = 	snop;
	(pc) =	sbr.rel @p0 .LBB2_11-.Ltmp1, $1  }
0xc: {  	_ =	sdelay $0x3  }
.LBB2_10:
0xd: {  	s12 =	sadd.s32 $0x40, s11  }
0xe: {  	s13 =	smov.u32 s6;
	p0 =	slt.s32 s12, s8  }
0xf: {  	s13 =	smov.u32 @p0 s12  }
0x10: {  	s10 =	sadd.s32 $0x1, s10;
	s12 =	smov.u32 s11;
	s11 =	smov.u32 s13  }
.LBB2_1:
0x11: {  	p0 =	sne.s32 s10, $0x0  }
.Ltmp2:
0x12: {  	_ = 	snop;
	(pc) =	sbr.rel @!p0 .LBB2_2-.Ltmp2, $1  }
0x13: {  	_ =	sdelay $0x3  }
0x14: {  	s13 =	sand.u32 $0x1, s10  }
0x15: {  	p0 =	seq.s32 s13, $0x0  }
.Ltmp3:
0x16: {  	_ = 	snop;
	(pc) =	sbr.rel @p0 .LBB2_9-.Ltmp3, $1  }
0x17: {  	_ =	sdelay $0x3  }
0x18: {  	_ =	swait.ge [sflag:s5], $0x40  }
0x19: {  	[sflag:s5] =	ssyncset.done $0x0  }
0x1a: {  	s13 =	simm.s32 $0x0;
	[sflag:s5] =	ssyncadd.s32 $0xFFFFFFC0  }
0x1b: {  	v0 =	vld.msk [tilespmem:s13+$0x40 ss:$0x1], $0xffff;
	_ =	sdelay $0x4  }
0x1c: {  	v1 =	vshll.u32 v0, $0x5  }
0x1d: {  	vm2 =	veq.s32 v0, $0x80000000;
	v0 =	vshll.u32 v0, $0x13;
	v1 =	vand.u32 $0x7FF80, v1  }
0x1e: {  	v0 =	vand.u32 $0x180000, v0;
	v1 =	vsel vm2, $0xFFFFFF80, v1  }
0x1f: {  	v0 =	vsel vm2, $0xFFF80000, v0;
	v2 =	vand.u32 $0xFFFFFC00, v1  }
0x20: {  	v1 =	vand.u32 $0x380, v1;
	v0 =	vadd.s32 v0, v2  }
0x21: {  	v0 =	vor.u32 v1, v0  }
0x22: {  	v0 =	vshrl.u32 v0, $0x3;
	_ =	sdelay $0x3  }
0x23: {  	s13 =	simm.s32 $0x2080  }
0x24: {  	[tilespmem:s13], [sflag:$0x1] =	stream.indirect_vreg.gather [hbm:s2], $0x80, v0, vm0, $0x38;
	[tilespmem:$0x4080] =	vst v63  }
0x25: {  	s14 =	simm.s32 $0x2480;
	s31 =	simm.s32 $0x10  }
0x26: {  	[tilespmem:s14], [sflag:$0x1] =	stream.indirect_vreg.gather [hbm:s2], $0x80, v0, vm1, $0x38;
	[tilespmem:$0x4080] =	vst v63  }
0x27: {  	s14 =	simm.s32 $0x80;
	v0 =	vld.msk [tilespmem:s31+$0x40 ss:$0x1], $0xffff  }
.LBB2_5:
0x28: {  	p0 =	sne.s32 s14, $0xC0;
	_ =	sdelay $0x4  }
0x29: {  	v1 =	vshll.u32 v0, $0x5  }
0x2a: {  	vm2 =	veq.s32 v0, $0x80000000;
	v0 =	vshll.u32 v0, $0x13;
	v1 =	vand.u32 $0x7FF80, v1  }
0x2b: {  	v0 =	vand.u32 $0x180000, v0;
	v1 =	vsel vm2, $0xFFFFFF80, v1  }
0x2c: {  	v0 =	vsel vm2, $0xFFF80000, v0;
	v2 =	vand.u32 $0xFFFFFC00, v1  }
0x2d: {  	v1 =	vand.u32 $0x380, v1;
	v0 =	vadd.s32 v0, v2  }
0x2e: {  	v0 =	vor.u32 v1, v0  }
0x2f: {  	v0 =	vshrl.u32 v0, $0x3;
	_ =	sdelay $0x3  }
.Ltmp4:
0x30: {  	s13 =	sadd.s32 $0x800, s13;
	(pc) =	sbr.rel @p0 .LBB2_5-.Ltmp4, $4  }
0x31: {  	[tilespmem:s13], [sflag:$0x1] =	stream.indirect_vreg.gather [hbm:s2], $0x80, v0, vm0, $0x38;
	[tilespmem:$0x4080] =	vst v63  }
0x32: {  	s15 =	sshra.s32 s14, $0x2;
	s16 =	sadd.s32 $0x400, s13  }
0x33: {  	[tilespmem:s16], [sflag:$0x1] =	stream.indirect_vreg.gather [hbm:s2], $0x80, v0, vm1, $0x38;
	[tilespmem:$0x4080] =	vst v63  }
0x34: {  	s14 =	sadd.s32 $0x40, s14;
	v0 =	vld.msk [tilespmem:s15+$0x40 ss:$0x1], $0xffff  }
0x35: {  	_ =	sdelay $0x3  }
0x36: {  	v1 =	vshll.u32 v0, $0x5  }
0x37: {  	vm2 =	veq.s32 v0, $0x80000000;
	v63 =	vshll.u32 v0, $0x13;
	v1 =	vand.u32 $0x7FF80, v1  }
0x38: {  	v0 =	vand.u32 $0x180000, v63;
	v1 =	vsel vm2, $0xFFFFFF80, v1  }
0x39: {  	v0 =	vsel vm2, $0xFFF80000, v0;
	v2 =	vand.u32 $0xFFFFFC00, v1  }
0x3a: {  	v1 =	vand.u32 $0x380, v1;
	v0 =	vadd.s32 v0, v2  }
0x3b: {  	v0 =	vor.u32 v1, v0  }
0x3c: {  	v0 =	vshrl.u32 v0, $0x3;
	_ =	sdelay $0x3  }
0x3d: {  	s13 =	sadd.s32 $0x800, s13  }
0x3e: {  	[tilespmem:s13], [sflag:$0x1] =	stream.indirect_vreg.gather [hbm:s2], $0x80, v0, vm0, $0x38;
	[tilespmem:$0x4080] =	vst v63  }
0x3f: {  	s13 =	sadd.s32 $0x400, s13  }
0x40: {  	[tilespmem:s13], [sflag:$0x1] =	stream.indirect_vreg.gather [hbm:s2], $0x80, v0, vm1, $0x38;
	[tilespmem:$0x4080] =	vst v63  }
0x41: {  	s12 =	sshll.u32 s12, $0x4;
	s14 =	simm.s32 $0x80;
	_ =	swait.ge [sflag:s4], $0x2000  }
0x42: {  	s15 =	simm.s32 $0x2480;
	s12 =	sadd.s32 s12, s7;
	[sflag:s4] =	ssyncset.done $0x0  }
0x43: {  	s16 =	sadd.s32 $0x0, s12;
	s13 =	simm.s32 $0x2080;
	[sflag:s4] =	ssyncadd.s32 $0xFFFFE000  }
.LBB2_7:
0x44: {  	[hbm:s16] =	stream.linear.scatter [tilespmem:s13], [sflag:$0x3], $0x400, $0x38;
	[tilespmem:$0x4080] =	vst v63  }
0x45: {  	s16 =	smov.u32 s14;
	s13 =	smov.u32 s15;
	p0 =	sne.s32 s14, $0x380  }
.Ltmp5:
0x46: {  	s14 =	sadd.s32 $0x80, s14;
	(pc) =	sbr.rel @p0 .LBB2_7-.Ltmp5, $2  }
0x47: {  	_ =	sdelay $0x2  }
0x48: {  	s15 =	sadd.s32 $0x400, s15;
	s16 =	sadd.s32 s16, s12  }
.Ltmp6:
0x49: {  	(pc) =	sbr.rel .LBB2_9-.Ltmp6, $2  }
0x4a: {  	_ =	sdelay $0x2  }
0x4b: {  	[hbm:s16] =	stream.linear.scatter [tilespmem:s13], [sflag:$0x3], $0x400, $0x38;
	[tilespmem:$0x4080] =	vst v63  }
.LBB2_2:
.Ltmp7:
0x4c: {  	(pc) =	sbr.rel .LBB2_10-.Ltmp7, $4  }
0x4d: {  	_ = 	snop  }
0x4e: {  	s12 =	sshrl.u32 s11, $0x3  }
0x4f: {  	s13 =	sand.u32 $0x7, s11;
	s12 =	sadd.s32 s3, s12  }
0x50: {  	[tilespmem:s9], [sflag:$0x2] =	stream.linear.gather [hbm4b:s12+s13], $0x40, $0x38;
	[tilespmem:$0x4080] =	vst v63  }
.LBB2_11:
0x51: {  	s2 =	simm.s32 $0x3  }
0x52: {  	_ =	swait.ge [sflag:s2], $0x2000  }
0x53: {  	[sflag:s2] =	ssyncset.done $0x0  }
0x54: {  	[sflag:s2] =	ssyncadd.s32 $0xFFFFE000  }
0x55: {  	_ =	sfence.sel $0x180000  }
0x56: {  	s3 =	simm.s32 $0x2;
	[bflag:$0x0] =	sbarrier.arrive $0xFFFF  }
0x57: {  	[sflag:s3] =	ssyncpa.u1 $0x1  }
0x58: {  	s31 =	simm.s32 $0x1;
	[sflag:s2] =	ssyncpa.u1 $0x1  }
0x59: {  	[sflag:s31] =	ssyncpa.u1 $0x1  }
0x5a: {  	p0 =	sne.s32 s1, $0x0;
	_ =	strace $0x90000047  }
0x5b: {  	s0 =	sadd.s32 @!p0 $0x100000, s0;
	[bflag:$0x2] =	sbarrier.arrive $0xFFFF  }
0x5c: {  	[sflag:s0] =	ssyncadd.tile.s32 @!p0 $0x1;
	_ =	shalt  }
.Lfunc_end2:
_tile_overlayer_lowered:
.L_overlay_start_2:
0x5d: {  	(tag) =	ssettag $0x2  }
0x5e: {  	s0 =	rddreg [dreg:$0x0];
	s2 =	stileid.u32  }
0x5f: {  	s1 =	rddreg [dreg:$0x1];
	p0 =	sne.s32 s2, $0x0  }
0x60: {  	s3 =	rddreg [dreg:$0x2];
	[bflag:$0x3] =	sbarrier.arrive $0xFFFF;
	s2 =	simm.s32 @!p0 $0x1C01  }
0x61: {  	[timem:s3], [sflag:s2] =	dma.local @!p0 [hbm:s0], s1  }
0x62: {  	s0 =	simm.s32 @!p0 $0x1  }
0x63: {  	_ =	swait.ge @!p0 [sflag:s0], s1  }
0x64: {  	s1 =	ssub.s32 @!p0 $0x0, s1;
	[sflag:s0] =	ssyncset.done @!p0 $0x0  }
0x65: {  	[sflag:s0] =	ssyncadd.s32 @!p0 s1  }
0x66: {  	[bflag:$0x3] =	sbarrier.arrive $0xFFFF  }
0x67: {  	_ =	shalt  }

</sc_bundles>
